<compile_context>
chip_gen: v7x
topology: tpu7x:2x2x1
jax: 0.10.2.dev20260603
libtpu: 0.0.44.dev20260713+nightly
codegen_flags: <defaults>
</compile_context>

<pallas_src>
import functools

import jax
import jax.numpy as jnp
from jax import lax
from jax.experimental import pallas as pl
from jax.experimental.pallas import tpu as pltpu
from jax.experimental.pallas import tpu_sc as plsc

_VOCAB = 1000000
_DIM = 32
_BATCH = 16384
_HIST = 50
_N = _BATCH * _HIST
_NC, _NS = 2, 16
_NW = _NC * _NS
_CH = 512
_TB = _CH // 128
_CHUNKS = _N // _CH
_C_PER_H = _BATCH // _CH
_C_PER_W = _CHUNKS // _NW


def _make_gather():
    mesh = plsc.VectorSubcoreMesh(core_axis_name="c", subcore_axis_name="s")

    @functools.partial(
        pl.kernel,
        out_type=jax.ShapeDtypeStruct((_HIST, _DIM // 8, 128, 8, 128),
                                      jnp.float32),
        mesh=mesh,
        scratch_types=[
            pltpu.VMEM((_CH,), jnp.int32),
            pltpu.VMEM((_CH,), jnp.int32),
            pltpu.VMEM((_CH, _DIM), jnp.float32),
            pltpu.VMEM((_CH, _DIM), jnp.float32),
            pltpu.VMEM((_DIM // 8, _TB, 8, 129), jnp.float32),
            pltpu.VMEM((_DIM // 8, _TB, 8, 129), jnp.float32),
            pltpu.SemaphoreType.DMA,
            pltpu.SemaphoreType.DMA,
            pltpu.SemaphoreType.DMA,
        ],
        compiler_params=pltpu.CompilerParams(
            use_tc_tiling_on_sc=False, needs_layout_passes=False
        ),
    )
    def gather_kernel(idx_hbm, table4_hbm, out_hbm,
                      idx0, idx1, rows0, rows1, outv0, outv1,
                      gsem0, gsem1, wsem):
        wid = lax.axis_index("s") * _NC + lax.axis_index("c")
        c0 = wid * _C_PER_W
        lane = lax.broadcasted_iota(jnp.int32, (16,), 0)
        idx_b = (idx0, idx1)
        rows_b = (rows0, rows1)
        outv_b = (outv0, outv1)
        gsem_b = (gsem0, gsem1)

        tj_lo = lane // 8
        tj_hi = tj_lo + 2
        r_pat = lane % 8

        def fetch(c, b):
            pltpu.sync_copy(idx_hbm.at[pl.ds(c * _CH, _CH)], idx_b[b])
            pltpu.async_copy(table4_hbm.at[idx_b[b]], rows_b[b], gsem_b[b])

        def transpose(b):
            rows_v, out_v = rows_b[b], outv_b[b]

            @plsc.parallel_loop(0, _CH, step=1, unroll=8)
            def _rows(k):
                tbl = jnp.full((16,), k // 128, jnp.int32)
                cc = jnp.full((16,), k % 128, jnp.int32)
                for half, tj_vec in ((0, tj_lo), (1, tj_hi)):
                    v = rows_v[k, pl.ds(half * 16, 16)]
                    plsc.store_scatter(out_v, [tj_vec, tbl, r_pat, cc], v)

            plsc.subcore_barrier()

        def put(c, b):
            h = c // _C_PER_H
            tb0 = (c % _C_PER_H) * _TB
            for tj in range(_DIM // 8):
                pltpu.async_copy(outv_b[b].at[tj, :, :, pl.ds(0, 128)],
                                 out_hbm.at[h, tj, pl.ds(tb0, _TB)], wsem)

        def drain_put(b):
            for tj in range(_DIM // 8):
                pltpu.make_async_copy(
                    outv_b[b].at[tj, :, :, pl.ds(0, 128)],
                    out_hbm.at[0, tj, pl.ds(0, _TB)], wsem).wait()

        def slot(c, b, prefetch, drain_prev):
            pltpu.make_async_copy(
                table4_hbm.at[idx_b[b]], rows_b[b], gsem_b[b]).wait()
            if prefetch:
                fetch(c + 1, 1 - b)
            if drain_prev:
                drain_put(1 - b)
            transpose(b)
            put(c, b)

        fetch(c0, 0)
        slot(c0, 0, prefetch=True, drain_prev=False)

        def pair(j, carry):
            c = c0 + 2 * j + 1
            slot(c, 1, prefetch=True, drain_prev=True)
            slot(c + 1, 0, prefetch=True, drain_prev=True)
            return carry

        lax.fori_loop(0, (_C_PER_W - 2) // 2, pair, 0)
        slot(c0 + _C_PER_W - 1, 1, prefetch=False, drain_prev=True)
        drain_put(1)

    return gather_kernel


_gather = _make_gather()

_BV = 16384


def _linearize_body(x_ref, o_ref):
    o_ref[:, : _DIM] = x_ref[...].T


def _linearize(table):
    grid = (_VOCAB + _BV - 1) // _BV
    out = pl.pallas_call(
        _linearize_body,
        grid=(grid,),
        in_specs=[pl.BlockSpec((_DIM, _BV), lambda i: (0, i))],
        out_specs=pl.BlockSpec((_BV, 128), lambda i: (i, 0)),
        out_shape=jax.ShapeDtypeStruct((_VOCAB, 128), jnp.float32),
    )(table.T)
    return out.reshape(_VOCAB * 4, _DIM)


def kernel(inputs, table):
    idx = inputs.T.reshape(_N).astype(jnp.int32) * 4
    out5 = _gather(idx, _linearize(table))
    return out5.transpose(2, 4, 0, 1, 3).reshape(_BATCH, _HIST, _DIM)

# --- scband reference (transcript-rebuilt; emitter-appended) ---
"""Pipeline reference for scband-embeder-8727373546020 (READ-ONLY COPY).

The authoritative reference and input builder live on the scoring server;
editing this copy changes nothing except your own understanding.
"""

import jax, jax.numpy as jnp
import numpy as np

VOCAB = 1000000
DIM = 32
BATCH = 16384
HIST = 50

def setup_inputs(seed: int = 0) -> dict:
    key = jax.random.key(seed)
    k_idx, k_tab = jax.random.split(key)
    inputs = jax.random.randint(k_idx, (BATCH, HIST), 0, VOCAB, dtype=jnp.int64)
    table = jax.random.normal(k_tab, (VOCAB, DIM), dtype=jnp.float32) * 0.02
    return {"inputs": inputs, "table": table}

def reference(inputs, table):
    # nn.Embedding lookup: gather rows of table by index
    return jnp.take(table, inputs, axis=0)

if __name__ == "__main__":
    import jax
    _d = setup_inputs()
    print(jax.jit(kernel)(*tuple(_d.values())))

</pallas_src>

<mosaic_0001>
#map = affine_map<(d0, d1) -> (0)>
#map1 = affine_map<(d0, d1) -> (0, 0)>
#map2 = affine_map<(d0, d1) -> (0, 0, 0, 0, 0)>
module attributes {stable_mosaic.version = 14 : i64} {
  func.func @gather_kernel(%arg0: i32, %arg1: i32, %arg2: memref<819200xi32, #tpu.memory_space<hbm>>, %arg3: memref<4000000x32xf32, #tpu.memory_space<hbm>>, %arg4: memref<50x4x128x8x128xf32, #tpu.memory_space<hbm>>, %arg5: memref<512xi32, #tpu.memory_space<vmem>>, %arg6: memref<512xi32, #tpu.memory_space<vmem>>, %arg7: memref<512x32xf32, #tpu.memory_space<vmem>>, %arg8: memref<512x32xf32, #tpu.memory_space<vmem>>, %arg9: memref<4x4x8x129xf32, #tpu.memory_space<vmem>>, %arg10: memref<4x4x8x129xf32, #tpu.memory_space<vmem>>, %arg11: memref<!tpu.dma_semaphore, #tpu.memory_space<semaphore_mem>>, %arg12: memref<!tpu.dma_semaphore, #tpu.memory_space<semaphore_mem>>, %arg13: memref<!tpu.dma_semaphore, #tpu.memory_space<semaphore_mem>>) attributes {dimension_semantics = [#tpu.dimension_semantics<core_parallel>, #tpu.dimension_semantics<subcore_parallel>], iteration_bounds = array<i64: 2, 16>, scalar_prefetch = 0 : i64, scratch_operands = 9 : i64, tpu.core_type = #tpu.core_type<sc_vector_subcore>, window_params = [{transform_indices = #map}, {transform_indices = #map1}, {transform_indices = #map2}]} {
    %mul3A = arith.constant 2 : i32
    %mul3A_0 = arith.muli %arg1, %mul3A : i32
    %add3A = arith.addi %mul3A_0, %arg0 : i32
    %mul3A_1 = arith.constant 50 : i32
    %mul3A_2 = arith.muli %add3A, %mul3A_1 : i32
    %iota3A = tpu.iota {dimensions = array<i32: 0>} : vector<16xi32>
    %jit3A = arith.constant 8 : i32
    %div3A = vector.broadcast %jit3A : i32 to vector<16xi32>
    %div3A_3 = arith.divsi %iota3A, %div3A : vector<16xi32>
    %sign3A = arith.constant 0 : i32
    %sign3A_4 = vector.broadcast %sign3A : i32 to vector<16xi32>
    %sign3A_5 = arith.cmpi sgt, %iota3A, %sign3A_4 : vector<16xi32>
    %sign3A_6 = arith.extui %sign3A_5 : vector<16xi1> to vector<16xi32>
    %sign3A_7 = arith.constant 0 : i32
    %sign3A_8 = vector.broadcast %sign3A_7 : i32 to vector<16xi32>
    %sign3A_9 = arith.cmpi slt, %iota3A, %sign3A_8 : vector<16xi32>
    %sign3A_10 = arith.extui %sign3A_9 : vector<16xi1> to vector<16xi32>
    %sign3A_11 = arith.subi %sign3A_6, %sign3A_10 : vector<16xi32>
    %sign3A_12 = arith.constant 0 : i32
    %sign3A_13 = arith.cmpi sgt, %jit3A, %sign3A_12 : i32
    %sign3A_14 = arith.extui %sign3A_13 : i1 to i32
    %sign3A_15 = arith.constant 0 : i32
    %sign3A_16 = arith.cmpi slt, %jit3A, %sign3A_15 : i32
    %sign3A_17 = arith.extui %sign3A_16 : i1 to i32
    %sign3A_18 = arith.subi %sign3A_14, %sign3A_17 : i32
    %ne3A = vector.broadcast %sign3A_18 : i32 to vector<16xi32>
    %ne3A_19 = arith.cmpi ne, %sign3A_11, %ne3A : vector<16xi32>
    %rem3A = vector.broadcast %jit3A : i32 to vector<16xi32>
    %rem3A_20 = arith.remsi %iota3A, %rem3A : vector<16xi32>
    %ne3A_21 = arith.constant 0 : i32
    %ne3A_22 = vector.broadcast %ne3A_21 : i32 to vector<16xi32>
    %ne3A_23 = arith.cmpi ne, %rem3A_20, %ne3A_22 : vector<16xi32>
    %and3A = arith.andi %ne3A_19, %ne3A_23 : vector<16xi1>
    %sub3A = arith.constant 1 : i32
    %sub3A_24 = vector.broadcast %sub3A : i32 to vector<16xi32>
    %sub3A_25 = arith.subi %div3A_3, %sub3A_24 : vector<16xi32>
    %select_n3A = arith.select %and3A, %sub3A_25, %div3A_3 : vector<16xi1>, vector<16xi32>
    %add3A_26 = arith.constant 2 : i32
    %add3A_27 = vector.broadcast %add3A_26 : i32 to vector<16xi32>
    %add3A_28 = arith.addi %select_n3A, %add3A_27 : vector<16xi32>
    %jit3A_29 = arith.constant 8 : i32
    %eq3A = arith.constant 0 : i32
    %eq3A_30 = arith.cmpi eq, %jit3A_29, %eq3A : i32
    %jit3A_31 = arith.constant 1 : i32
    %select_n3A_32 = arith.select %eq3A_30, %jit3A_31, %jit3A_29 : i32
    %rem3A_33 = vector.broadcast %select_n3A_32 : i32 to vector<16xi32>
    %rem3A_34 = arith.remsi %iota3A, %rem3A_33 : vector<16xi32>
    %ne3A_35 = arith.constant 0 : i32
    %ne3A_36 = vector.broadcast %ne3A_35 : i32 to vector<16xi32>
    %ne3A_37 = arith.cmpi ne, %rem3A_34, %ne3A_36 : vector<16xi32>
    %lt3A = arith.constant 0 : i32
    %lt3A_38 = vector.broadcast %lt3A : i32 to vector<16xi32>
    %lt3A_39 = arith.cmpi slt, %rem3A_34, %lt3A_38 : vector<16xi32>
    %lt3A_40 = arith.constant 0 : i32
    %lt3A_41 = arith.cmpi slt, %select_n3A_32, %lt3A_40 : i32
    %ne3A_42 = vector.broadcast %lt3A_41 : i1 to vector<16xi1>
    %ne3A_43 = vector.broadcast %ne3A_42 : vector<16xi1> to vector<16xi1>
    %ne3A_44 = arith.xori %lt3A_39, %ne3A_43 : vector<16xi1>
    %and3A_45 = arith.andi %ne3A_44, %ne3A_37 : vector<16xi1>
    %add3A_46 = vector.broadcast %select_n3A_32 : i32 to vector<16xi32>
    %add3A_47 = arith.addi %rem3A_34, %add3A_46 : vector<16xi32>
    %select_n3A_48 = arith.select %and3A_45, %add3A_47, %rem3A_34 : vector<16xi1>, vector<16xi32>
    %mul3A_49 = arith.constant 512 : i32
    %mul3A_50 = arith.muli %mul3A_2, %mul3A_49 : i32
    "tpu.region"() ({
      %run_scoped3A = tpu.sem_alloc : memref<!tpu.dma_semaphore, #tpu.memory_space<semaphore_mem>>
      %dma_start3A_508 = tpu.memref_slice %arg2[%mul3A_50] : memref<819200xi32, #tpu.memory_space<hbm>> -> memref<512xi32, #tpu.memory_space<hbm>>
      %dma_start3A_509 = tpu.memref_slice %arg2[%mul3A_50] : memref<819200xi32, #tpu.memory_space<hbm>> -> memref<512xi32, #tpu.memory_space<hbm>>
      tpu.enqueue_dma source(%dma_start3A_509 : memref<512xi32, #tpu.memory_space<hbm>>) target(%arg5 : memref<512xi32, #tpu.memory_space<vmem>>) target_semaphore(%run_scoped3A : memref<!tpu.dma_semaphore, #tpu.memory_space<semaphore_mem>>)
      %dma_wait3A_510 = tpu.memref_slice %arg2[%mul3A_50] : memref<819200xi32, #tpu.memory_space<hbm>> -> memref<512xi32, #tpu.memory_space<hbm>>
      %dma_wait3A_511 = tpu.memref_slice %arg2[%mul3A_50] : memref<819200xi32, #tpu.memory_space<hbm>> -> memref<512xi32, #tpu.memory_space<hbm>>
      tpu.wait_dma2 semaphore(%run_scoped3A : memref<!tpu.dma_semaphore, #tpu.memory_space<semaphore_mem>>) src(%dma_wait3A_511 : memref<512xi32, #tpu.memory_space<hbm>>) dst(%arg5 : memref<512xi32, #tpu.memory_space<vmem>>)
      tpu.yield
    }) : () -> ()
    %dma_start3A = arith.constant 0 : i32
    %dma_start3A_51 = arith.constant 0 : i32
    %dma_start3A_52 = tpu.memref_slice %arg3[%dma_start3A, %dma_start3A_51] : memref<4000000x32xf32, #tpu.memory_space<hbm>> -> memref<4000000x32xf32, #tpu.memory_space<hbm>>
    tpu.enqueue_indirect_dma source(%dma_start3A_52 : memref<4000000x32xf32, #tpu.memory_space<hbm>>) target(%arg7 : memref<512x32xf32, #tpu.memory_space<vmem>>) offsets(%arg5 : memref<512xi32, #tpu.memory_space<vmem>>) semaphore(%arg11 : memref<!tpu.dma_semaphore, #tpu.memory_space<semaphore_mem>>)
    %dma_wait3A = arith.constant 0 : i32
    %dma_wait3A_53 = arith.constant 0 : i32
    %dma_wait3A_54 = tpu.memref_slice %arg3[%dma_wait3A, %dma_wait3A_53] : memref<4000000x32xf32, #tpu.memory_space<hbm>> -> memref<4000000x32xf32, #tpu.memory_space<hbm>>
    tpu.wait_indirect_dma semaphore(%arg11 : memref<!tpu.dma_semaphore, #tpu.memory_space<semaphore_mem>>) src(%dma_wait3A_54 : memref<4000000x32xf32, #tpu.memory_space<hbm>>) dst(%arg7 : memref<512x32xf32, #tpu.memory_space<vmem>>)
    %add3A_55 = arith.constant 1 : i32
    %add3A_56 = arith.addi %mul3A_2, %add3A_55 : i32
    %mul3A_57 = arith.constant 512 : i32
    %mul3A_58 = arith.muli %add3A_56, %mul3A_57 : i32
    "tpu.region"() ({
      %run_scoped3A = tpu.sem_alloc : memref<!tpu.dma_semaphore, #tpu.memory_space<semaphore_mem>>
      %dma_start3A_508 = tpu.memref_slice %arg2[%mul3A_58] : memref<819200xi32, #tpu.memory_space<hbm>> -> memref<512xi32, #tpu.memory_space<hbm>>
      %dma_start3A_509 = tpu.memref_slice %arg2[%mul3A_58] : memref<819200xi32, #tpu.memory_space<hbm>> -> memref<512xi32, #tpu.memory_space<hbm>>
      tpu.enqueue_dma source(%dma_start3A_509 : memref<512xi32, #tpu.memory_space<hbm>>) target(%arg6 : memref<512xi32, #tpu.memory_space<vmem>>) target_semaphore(%run_scoped3A : memref<!tpu.dma_semaphore, #tpu.memory_space<semaphore_mem>>)
      %dma_wait3A_510 = tpu.memref_slice %arg2[%mul3A_58] : memref<819200xi32, #tpu.memory_space<hbm>> -> memref<512xi32, #tpu.memory_space<hbm>>
      %dma_wait3A_511 = tpu.memref_slice %arg2[%mul3A_58] : memref<819200xi32, #tpu.memory_space<hbm>> -> memref<512xi32, #tpu.memory_space<hbm>>
      tpu.wait_dma2 semaphore(%run_scoped3A : memref<!tpu.dma_semaphore, #tpu.memory_space<semaphore_mem>>) src(%dma_wait3A_511 : memref<512xi32, #tpu.memory_space<hbm>>) dst(%arg6 : memref<512xi32, #tpu.memory_space<vmem>>)
      tpu.yield
    }) : () -> ()
    %dma_start3A_59 = arith.constant 0 : i32
    %dma_start3A_60 = arith.constant 0 : i32
    %dma_start3A_61 = tpu.memref_slice %arg3[%dma_start3A_59, %dma_start3A_60] : memref<4000000x32xf32, #tpu.memory_space<hbm>> -> memref<4000000x32xf32, #tpu.memory_space<hbm>>
    tpu.enqueue_indirect_dma source(%dma_start3A_61 : memref<4000000x32xf32, #tpu.memory_space<hbm>>) target(%arg8 : memref<512x32xf32, #tpu.memory_space<vmem>>) offsets(%arg6 : memref<512xi32, #tpu.memory_space<vmem>>) semaphore(%arg12 : memref<!tpu.dma_semaphore, #tpu.memory_space<semaphore_mem>>)
    %parallel_loop3A = arith.constant 0 : i32
    %parallel_loop3A_62 = arith.constant 512 : i32
    %parallel_loop3A_63 = arith.constant 1 : i32
    scf.for %parallel_loop3A_508 = %parallel_loop3A to %parallel_loop3A_62 step %parallel_loop3A_63  : i32 {
      %parallel_loop3A_509 = arith.constant 128 : i32
      %parallel_loop3A_510 = arith.divsi %parallel_loop3A_508, %parallel_loop3A_509 : i32
      %parallel_loop3A_511 = arith.constant 0 : i32
      %parallel_loop3A_512 = arith.cmpi sgt, %parallel_loop3A_508, %parallel_loop3A_511 : i32
      %parallel_loop3A_513 = arith.extui %parallel_loop3A_512 : i1 to i32
      %parallel_loop3A_514 = arith.constant 0 : i32
      %parallel_loop3A_515 = arith.cmpi slt, %parallel_loop3A_508, %parallel_loop3A_514 : i32
      %parallel_loop3A_516 = arith.extui %parallel_loop3A_515 : i1 to i32
      %parallel_loop3A_517 = arith.subi %parallel_loop3A_513, %parallel_loop3A_516 : i32
      %parallel_loop3A_518 = arith.constant 0 : i32
      %parallel_loop3A_519 = arith.cmpi sgt, %parallel_loop3A_509, %parallel_loop3A_518 : i32
      %parallel_loop3A_520 = arith.extui %parallel_loop3A_519 : i1 to i32
      %parallel_loop3A_521 = arith.constant 0 : i32
      %parallel_loop3A_522 = arith.cmpi slt, %parallel_loop3A_509, %parallel_loop3A_521 : i32
      %parallel_loop3A_523 = arith.extui %parallel_loop3A_522 : i1 to i32
      %parallel_loop3A_524 = arith.subi %parallel_loop3A_520, %parallel_loop3A_523 : i32
      %parallel_loop3A_525 = arith.cmpi ne, %parallel_loop3A_517, %parallel_loop3A_524 : i32
      %parallel_loop3A_526 = arith.remsi %parallel_loop3A_508, %parallel_loop3A_509 : i32
      %parallel_loop3A_527 = arith.constant 0 : i32
      %parallel_loop3A_528 = arith.cmpi ne, %parallel_loop3A_526, %parallel_loop3A_527 : i32
      %parallel_loop3A_529 = arith.andi %parallel_loop3A_525, %parallel_loop3A_528 : i1
      %parallel_loop3A_530 = arith.constant 1 : i32
      %parallel_loop3A_531 = arith.subi %parallel_loop3A_510, %parallel_loop3A_530 : i32
      %parallel_loop3A_532 = arith.select %parallel_loop3A_529, %parallel_loop3A_531, %parallel_loop3A_510 : i32
      %parallel_loop3A_533 = vector.broadcast %parallel_loop3A_532 : i32 to vector<16xi32>
      %parallel_loop3A_534 = arith.constant 128 : i32
      %parallel_loop3A_535 = arith.constant 0 : i32
      %parallel_loop3A_536 = arith.cmpi eq, %parallel_loop3A_534, %parallel_loop3A_535 : i32
      %parallel_loop3A_537 = arith.constant 1 : i32
      %parallel_loop3A_538 = arith.select %parallel_loop3A_536, %parallel_loop3A_537, %parallel_loop3A_534 : i32
      %parallel_loop3A_539 = arith.remsi %parallel_loop3A_508, %parallel_loop3A_538 : i32
      %parallel_loop3A_540 = arith.constant 0 : i32
      %parallel_loop3A_541 = arith.cmpi ne, %parallel_loop3A_539, %parallel_loop3A_540 : i32
      %parallel_loop3A_542 = arith.constant 0 : i32
      %parallel_loop3A_543 = arith.cmpi slt, %parallel_loop3A_539, %parallel_loop3A_542 : i32
      %parallel_loop3A_544 = arith.constant 0 : i32
      %parallel_loop3A_545 = arith.cmpi slt, %parallel_loop3A_538, %parallel_loop3A_544 : i32
      %parallel_loop3A_546 = arith.xori %parallel_loop3A_543, %parallel_loop3A_545 : i1
      %parallel_loop3A_547 = arith.andi %parallel_loop3A_546, %parallel_loop3A_541 : i1
      %parallel_loop3A_548 = arith.addi %parallel_loop3A_539, %parallel_loop3A_538 : i32
      %parallel_loop3A_549 = arith.select %parallel_loop3A_547, %parallel_loop3A_548, %parallel_loop3A_539 : i32
      %parallel_loop3A_550 = vector.broadcast %parallel_loop3A_549 : i32 to vector<16xi32>
      %parallel_loop3A_551 = arith.index_cast %parallel_loop3A_508 : i32 to index
      %parallel_loop3A_552 = arith.constant 0 : index
      %parallel_loop3A_553 = tpu.vector_load %arg7[%parallel_loop3A_551, %parallel_loop3A_552] {strides = array<i32>} : memref<512x32xf32, #tpu.memory_space<vmem>>, vector<16xf32>,
      tpu.vector_store_idx %arg9[%select_n3A, %parallel_loop3A_533, %select_n3A_48, %parallel_loop3A_550], %parallel_loop3A_553 : memref<4x4x8x129xf32, #tpu.memory_space<vmem>>[vector<16xi32>, vector<16xi32>, vector<16xi32>, vector<16xi32>], vector<16xf32>,
      %parallel_loop3A_554 = arith.index_cast %parallel_loop3A_508 : i32 to index
      %parallel_loop3A_555 = arith.constant 16 : index
      %parallel_loop3A_556 = tpu.vector_load %arg7[%parallel_loop3A_554, %parallel_loop3A_555] {strides = array<i32>} : memref<512x32xf32, #tpu.memory_space<vmem>>, vector<16xf32>,
      tpu.vector_store_idx %arg9[%add3A_28, %parallel_loop3A_533, %select_n3A_48, %parallel_loop3A_550], %parallel_loop3A_556 : memref<4x4x8x129xf32, #tpu.memory_space<vmem>>[vector<16xi32>, vector<16xi32>, vector<16xi32>, vector<16xi32>], vector<16xf32>,
    } {sc.loop_unroll_factor = 8 : i64, sc.parallel_access}
    %barrier3A = arith.constant 0 : index
    tpu.barrier barrier_id(%barrier3A)
    %jit3A_64 = arith.constant 32 : i32
    %div3A_65 = arith.divsi %mul3A_2, %jit3A_64 : i32
    %sign3A_66 = arith.constant 0 : i32
    %sign3A_67 = arith.cmpi sgt, %mul3A_2, %sign3A_66 : i32
    %sign3A_68 = arith.extui %sign3A_67 : i1 to i32
    %sign3A_69 = arith.constant 0 : i32
    %sign3A_70 = arith.cmpi slt, %mul3A_2, %sign3A_69 : i32
    %sign3A_71 = arith.extui %sign3A_70 : i1 to i32
    %sign3A_72 = arith.subi %sign3A_68, %sign3A_71 : i32
    %sign3A_73 = arith.constant 0 : i32
    %sign3A_74 = arith.cmpi sgt, %jit3A_64, %sign3A_73 : i32
    %sign3A_75 = arith.extui %sign3A_74 : i1 to i32
    %sign3A_76 = arith.constant 0 : i32
    %sign3A_77 = arith.cmpi slt, %jit3A_64, %sign3A_76 : i32
    %sign3A_78 = arith.extui %sign3A_77 : i1 to i32
    %sign3A_79 = arith.subi %sign3A_75, %sign3A_78 : i32
    %ne3A_80 = arith.cmpi ne, %sign3A_72, %sign3A_79 : i32
    %rem3A_81 = arith.remsi %mul3A_2, %jit3A_64 : i32
    %ne3A_82 = arith.constant 0 : i32
    %ne3A_83 = arith.cmpi ne, %rem3A_81, %ne3A_82 : i32
    %and3A_84 = arith.andi %ne3A_80, %ne3A_83 : i1
    %sub3A_85 = arith.constant 1 : i32
    %sub3A_86 = arith.subi %div3A_65, %sub3A_85 : i32
    %select_n3A_87 = arith.select %and3A_84, %sub3A_86, %div3A_65 : i32
    %jit3A_88 = arith.constant 32 : i32
    %eq3A_89 = arith.constant 0 : i32
    %eq3A_90 = arith.cmpi eq, %jit3A_88, %eq3A_89 : i32
    %jit3A_91 = arith.constant 1 : i32
    %select_n3A_92 = arith.select %eq3A_90, %jit3A_91, %jit3A_88 : i32
    %rem3A_93 = arith.remsi %mul3A_2, %select_n3A_92 : i32
    %ne3A_94 = arith.constant 0 : i32
    %ne3A_95 = arith.cmpi ne, %rem3A_93, %ne3A_94 : i32
    %lt3A_96 = arith.constant 0 : i32
    %lt3A_97 = arith.cmpi slt, %rem3A_93, %lt3A_96 : i32
    %lt3A_98 = arith.constant 0 : i32
    %lt3A_99 = arith.cmpi slt, %select_n3A_92, %lt3A_98 : i32
    %ne3A_100 = arith.xori %lt3A_97, %lt3A_99 : i1
    %and3A_101 = arith.andi %ne3A_100, %ne3A_95 : i1
    %add3A_102 = arith.addi %rem3A_93, %select_n3A_92 : i32
    %select_n3A_103 = arith.select %and3A_101, %add3A_102, %rem3A_93 : i32
    %mul3A_104 = arith.constant 4 : i32
    %mul3A_105 = arith.muli %select_n3A_103, %mul3A_104 : i32
    %dma_start3A_106 = arith.constant 0 : i32
    %dma_start3A_107 = arith.constant 0 : i32
    %dma_start3A_108 = arith.constant 0 : i32
    %dma_start3A_109 = arith.constant 0 : i32
    %dma_start3A_110 = arith.constant 0 : i32
    %dma_start3A_111 = tpu.memref_slice %arg9[%dma_start3A_106, %dma_start3A_108, %dma_start3A_109, %dma_start3A_110] : memref<4x4x8x129xf32, #tpu.memory_space<vmem>> -> memref<1x4x8x128xf32, #tpu.memory_space<vmem>>
    %dma_start3A_112 = tpu.memref_squeeze %dma_start3A_111 : memref<1x4x8x128xf32, #tpu.memory_space<vmem>> -> memref<4x8x128xf32, #tpu.memory_space<vmem>>
    %dma_start3A_113 = arith.constant 0 : i32
    %dma_start3A_114 = arith.constant 0 : i32
    %dma_start3A_115 = tpu.memref_slice %arg4[%select_n3A_87, %dma_start3A_107, %mul3A_105, %dma_start3A_113, %dma_start3A_114] : memref<50x4x128x8x128xf32, #tpu.memory_space<hbm>> -> memref<1x1x4x8x128xf32, #tpu.memory_space<hbm>>
    %dma_start3A_116 = tpu.memref_squeeze %dma_start3A_115 : memref<1x1x4x8x128xf32, #tpu.memory_space<hbm>> -> memref<4x8x128xf32, #tpu.memory_space<hbm>>
    %dma_start3A_117 = arith.constant 0 : i32
    %dma_start3A_118 = arith.constant 0 : i32
    %dma_start3A_119 = tpu.memref_slice %arg4[%select_n3A_87, %dma_start3A_107, %mul3A_105, %dma_start3A_117, %dma_start3A_118] : memref<50x4x128x8x128xf32, #tpu.memory_space<hbm>> -> memref<1x1x4x8x128xf32, #tpu.memory_space<hbm>>
    %dma_start3A_120 = tpu.memref_squeeze %dma_start3A_119 : memref<1x1x4x8x128xf32, #tpu.memory_space<hbm>> -> memref<4x8x128xf32, #tpu.memory_space<hbm>>
    %dma_start3A_121 = arith.constant 0 : i32
    %dma_start3A_122 = arith.constant 0 : i32
    %dma_start3A_123 = arith.constant 0 : i32
    %dma_start3A_124 = tpu.memref_slice %arg9[%dma_start3A_106, %dma_start3A_121, %dma_start3A_122, %dma_start3A_123] : memref<4x4x8x129xf32, #tpu.memory_space<vmem>> -> memref<1x4x8x128xf32, #tpu.memory_space<vmem>>
    %dma_start3A_125 = tpu.memref_squeeze %dma_start3A_124 : memref<1x4x8x128xf32, #tpu.memory_space<vmem>> -> memref<4x8x128xf32, #tpu.memory_space<vmem>>
    tpu.enqueue_dma source(%dma_start3A_125 : memref<4x8x128xf32, #tpu.memory_space<vmem>>) target(%dma_start3A_120 : memref<4x8x128xf32, #tpu.memory_space<hbm>>) target_semaphore(%arg13 : memref<!tpu.dma_semaphore, #tpu.memory_space<semaphore_mem>>)
    %dma_start3A_126 = arith.constant 1 : i32
    %dma_start3A_127 = arith.constant 1 : i32
    %dma_start3A_128 = arith.constant 0 : i32
    %dma_start3A_129 = arith.constant 0 : i32
    %dma_start3A_130 = arith.constant 0 : i32
    %dma_start3A_131 = tpu.memref_slice %arg9[%dma_start3A_126, %dma_start3A_128, %dma_start3A_129, %dma_start3A_130] : memref<4x4x8x129xf32, #tpu.memory_space<vmem>> -> memref<1x4x8x128xf32, #tpu.memory_space<vmem>>
    %dma_start3A_132 = tpu.memref_squeeze %dma_start3A_131 : memref<1x4x8x128xf32, #tpu.memory_space<vmem>> -> memref<4x8x128xf32, #tpu.memory_space<vmem>>
    %dma_start3A_133 = arith.constant 0 : i32
    %dma_start3A_134 = arith.constant 0 : i32
    %dma_start3A_135 = tpu.memref_slice %arg4[%select_n3A_87, %dma_start3A_127, %mul3A_105, %dma_start3A_133, %dma_start3A_134] : memref<50x4x128x8x128xf32, #tpu.memory_space<hbm>> -> memref<1x1x4x8x128xf32, #tpu.memory_space<hbm>>
    %dma_start3A_136 = tpu.memref_squeeze %dma_start3A_135 : memref<1x1x4x8x128xf32, #tpu.memory_space<hbm>> -> memref<4x8x128xf32, #tpu.memory_space<hbm>>
    %dma_start3A_137 = arith.constant 0 : i32
    %dma_start3A_138 = arith.constant 0 : i32
    %dma_start3A_139 = tpu.memref_slice %arg4[%select_n3A_87, %dma_start3A_127, %mul3A_105, %dma_start3A_137, %dma_start3A_138] : memref<50x4x128x8x128xf32, #tpu.memory_space<hbm>> -> memref<1x1x4x8x128xf32, #tpu.memory_space<hbm>>
    %dma_start3A_140 = tpu.memref_squeeze %dma_start3A_139 : memref<1x1x4x8x128xf32, #tpu.memory_space<hbm>> -> memref<4x8x128xf32, #tpu.memory_space<hbm>>
    %dma_start3A_141 = arith.constant 0 : i32
    %dma_start3A_142 = arith.constant 0 : i32
    %dma_start3A_143 = arith.constant 0 : i32
    %dma_start3A_144 = tpu.memref_slice %arg9[%dma_start3A_126, %dma_start3A_141, %dma_start3A_142, %dma_start3A_143] : memref<4x4x8x129xf32, #tpu.memory_space<vmem>> -> memref<1x4x8x128xf32, #tpu.memory_space<vmem>>
    %dma_start3A_145 = tpu.memref_squeeze %dma_start3A_144 : memref<1x4x8x128xf32, #tpu.memory_space<vmem>> -> memref<4x8x128xf32, #tpu.memory_space<vmem>>
    tpu.enqueue_dma source(%dma_start3A_145 : memref<4x8x128xf32, #tpu.memory_space<vmem>>) target(%dma_start3A_140 : memref<4x8x128xf32, #tpu.memory_space<hbm>>) target_semaphore(%arg13 : memref<!tpu.dma_semaphore, #tpu.memory_space<semaphore_mem>>)
    %dma_start3A_146 = arith.constant 2 : i32
    %dma_start3A_147 = arith.constant 2 : i32
    %dma_start3A_148 = arith.constant 0 : i32
    %dma_start3A_149 = arith.constant 0 : i32
    %dma_start3A_150 = arith.constant 0 : i32
    %dma_start3A_151 = tpu.memref_slice %arg9[%dma_start3A_146, %dma_start3A_148, %dma_start3A_149, %dma_start3A_150] : memref<4x4x8x129xf32, #tpu.memory_space<vmem>> -> memref<1x4x8x128xf32, #tpu.memory_space<vmem>>
    %dma_start3A_152 = tpu.memref_squeeze %dma_start3A_151 : memref<1x4x8x128xf32, #tpu.memory_space<vmem>> -> memref<4x8x128xf32, #tpu.memory_space<vmem>>
    %dma_start3A_153 = arith.constant 0 : i32
    %dma_start3A_154 = arith.constant 0 : i32
    %dma_start3A_155 = tpu.memref_slice %arg4[%select_n3A_87, %dma_start3A_147, %mul3A_105, %dma_start3A_153, %dma_start3A_154] : memref<50x4x128x8x128xf32, #tpu.memory_space<hbm>> -> memref<1x1x4x8x128xf32, #tpu.memory_space<hbm>>
    %dma_start3A_156 = tpu.memref_squeeze %dma_start3A_155 : memref<1x1x4x8x128xf32, #tpu.memory_space<hbm>> -> memref<4x8x128xf32, #tpu.memory_space<hbm>>
    %dma_start3A_157 = arith.constant 0 : i32
    %dma_start3A_158 = arith.constant 0 : i32
    %dma_start3A_159 = tpu.memref_slice %arg4[%select_n3A_87, %dma_start3A_147, %mul3A_105, %dma_start3A_157, %dma_start3A_158] : memref<50x4x128x8x128xf32, #tpu.memory_space<hbm>> -> memref<1x1x4x8x128xf32, #tpu.memory_space<hbm>>
    %dma_start3A_160 = tpu.memref_squeeze %dma_start3A_159 : memref<1x1x4x8x128xf32, #tpu.memory_space<hbm>> -> memref<4x8x128xf32, #tpu.memory_space<hbm>>
    %dma_start3A_161 = arith.constant 0 : i32
    %dma_start3A_162 = arith.constant 0 : i32
    %dma_start3A_163 = arith.constant 0 : i32
    %dma_start3A_164 = tpu.memref_slice %arg9[%dma_start3A_146, %dma_start3A_161, %dma_start3A_162, %dma_start3A_163] : memref<4x4x8x129xf32, #tpu.memory_space<vmem>> -> memref<1x4x8x128xf32, #tpu.memory_space<vmem>>
    %dma_start3A_165 = tpu.memref_squeeze %dma_start3A_164 : memref<1x4x8x128xf32, #tpu.memory_space<vmem>> -> memref<4x8x128xf32, #tpu.memory_space<vmem>>
    tpu.enqueue_dma source(%dma_start3A_165 : memref<4x8x128xf32, #tpu.memory_space<vmem>>) target(%dma_start3A_160 : memref<4x8x128xf32, #tpu.memory_space<hbm>>) target_semaphore(%arg13 : memref<!tpu.dma_semaphore, #tpu.memory_space<semaphore_mem>>)
    %dma_start3A_166 = arith.constant 3 : i32
    %dma_start3A_167 = arith.constant 3 : i32
    %dma_start3A_168 = arith.constant 0 : i32
    %dma_start3A_169 = arith.constant 0 : i32
    %dma_start3A_170 = arith.constant 0 : i32
    %dma_start3A_171 = tpu.memref_slice %arg9[%dma_start3A_166, %dma_start3A_168, %dma_start3A_169, %dma_start3A_170] : memref<4x4x8x129xf32, #tpu.memory_space<vmem>> -> memref<1x4x8x128xf32, #tpu.memory_space<vmem>>
    %dma_start3A_172 = tpu.memref_squeeze %dma_start3A_171 : memref<1x4x8x128xf32, #tpu.memory_space<vmem>> -> memref<4x8x128xf32, #tpu.memory_space<vmem>>
    %dma_start3A_173 = arith.constant 0 : i32
    %dma_start3A_174 = arith.constant 0 : i32
    %dma_start3A_175 = tpu.memref_slice %arg4[%select_n3A_87, %dma_start3A_167, %mul3A_105, %dma_start3A_173, %dma_start3A_174] : memref<50x4x128x8x128xf32, #tpu.memory_space<hbm>> -> memref<1x1x4x8x128xf32, #tpu.memory_space<hbm>>
    %dma_start3A_176 = tpu.memref_squeeze %dma_start3A_175 : memref<1x1x4x8x128xf32, #tpu.memory_space<hbm>> -> memref<4x8x128xf32, #tpu.memory_space<hbm>>
    %dma_start3A_177 = arith.constant 0 : i32
    %dma_start3A_178 = arith.constant 0 : i32
    %dma_start3A_179 = tpu.memref_slice %arg4[%select_n3A_87, %dma_start3A_167, %mul3A_105, %dma_start3A_177, %dma_start3A_178] : memref<50x4x128x8x128xf32, #tpu.memory_space<hbm>> -> memref<1x1x4x8x128xf32, #tpu.memory_space<hbm>>
    %dma_start3A_180 = tpu.memref_squeeze %dma_start3A_179 : memref<1x1x4x8x128xf32, #tpu.memory_space<hbm>> -> memref<4x8x128xf32, #tpu.memory_space<hbm>>
    %dma_start3A_181 = arith.constant 0 : i32
    %dma_start3A_182 = arith.constant 0 : i32
    %dma_start3A_183 = arith.constant 0 : i32
    %dma_start3A_184 = tpu.memref_slice %arg9[%dma_start3A_166, %dma_start3A_181, %dma_start3A_182, %dma_start3A_183] : memref<4x4x8x129xf32, #tpu.memory_space<vmem>> -> memref<1x4x8x128xf32, #tpu.memory_space<vmem>>
    %dma_start3A_185 = tpu.memref_squeeze %dma_start3A_184 : memref<1x4x8x128xf32, #tpu.memory_space<vmem>> -> memref<4x8x128xf32, #tpu.memory_space<vmem>>
    tpu.enqueue_dma source(%dma_start3A_185 : memref<4x8x128xf32, #tpu.memory_space<vmem>>) target(%dma_start3A_180 : memref<4x8x128xf32, #tpu.memory_space<hbm>>) target_semaphore(%arg13 : memref<!tpu.dma_semaphore, #tpu.memory_space<semaphore_mem>>)
    %scan3A = arith.constant 0 : i32
    %scan3A_186 = arith.constant 0 : i32
    %scan3A_187 = arith.constant 24 : i32
    %scan3A_188 = arith.addi %scan3A_186, %scan3A_187 : i32
    %scan3A_189 = arith.constant 1 : i32
    scf.for %scan3A_508 = %scan3A_186 to %scan3A_188 step %scan3A_189  : i32 {
      %mul3A_509 = arith.constant 2 : i32
      %mul3A_510 = arith.muli %mul3A_509, %scan3A_508 : i32
      %add3A_511 = arith.addi %mul3A_2, %mul3A_510 : i32
      %add3A_512 = arith.constant 1 : i32
      %add3A_513 = arith.addi %add3A_511, %add3A_512 : i32
      %dma_wait3A_514 = arith.constant 0 : i32
      %dma_wait3A_515 = arith.constant 0 : i32
      %dma_wait3A_516 = tpu.memref_slice %arg3[%dma_wait3A_514, %dma_wait3A_515] : memref<4000000x32xf32, #tpu.memory_space<hbm>> -> memref<4000000x32xf32, #tpu.memory_space<hbm>>
      tpu.wait_indirect_dma semaphore(%arg12 : memref<!tpu.dma_semaphore, #tpu.memory_space<semaphore_mem>>) src(%dma_wait3A_516 : memref<4000000x32xf32, #tpu.memory_space<hbm>>) dst(%arg8 : memref<512x32xf32, #tpu.memory_space<vmem>>)
      %add3A_517 = arith.constant 1 : i32
      %add3A_518 = arith.addi %add3A_513, %add3A_517 : i32
      %mul3A_519 = arith.constant 512 : i32
      %mul3A_520 = arith.muli %add3A_518, %mul3A_519 : i32
      "tpu.region"() ({
        %run_scoped3A = tpu.sem_alloc : memref<!tpu.dma_semaphore, #tpu.memory_space<semaphore_mem>>
        %dma_start3A_972 = tpu.memref_slice %arg2[%mul3A_520] : memref<819200xi32, #tpu.memory_space<hbm>> -> memref<512xi32, #tpu.memory_space<hbm>>
        %dma_start3A_973 = tpu.memref_slice %arg2[%mul3A_520] : memref<819200xi32, #tpu.memory_space<hbm>> -> memref<512xi32, #tpu.memory_space<hbm>>
        tpu.enqueue_dma source(%dma_start3A_973 : memref<512xi32, #tpu.memory_space<hbm>>) target(%arg5 : memref<512xi32, #tpu.memory_space<vmem>>) target_semaphore(%run_scoped3A : memref<!tpu.dma_semaphore, #tpu.memory_space<semaphore_mem>>)
        %dma_wait3A_974 = tpu.memref_slice %arg2[%mul3A_520] : memref<819200xi32, #tpu.memory_space<hbm>> -> memref<512xi32, #tpu.memory_space<hbm>>
        %dma_wait3A_975 = tpu.memref_slice %arg2[%mul3A_520] : memref<819200xi32, #tpu.memory_space<hbm>> -> memref<512xi32, #tpu.memory_space<hbm>>
        tpu.wait_dma2 semaphore(%run_scoped3A : memref<!tpu.dma_semaphore, #tpu.memory_space<semaphore_mem>>) src(%dma_wait3A_975 : memref<512xi32, #tpu.memory_space<hbm>>) dst(%arg5 : memref<512xi32, #tpu.memory_space<vmem>>)
        tpu.yield
      }) : () -> ()
      %dma_start3A_521 = arith.constant 0 : i32
      %dma_start3A_522 = arith.constant 0 : i32
      %dma_start3A_523 = tpu.memref_slice %arg3[%dma_start3A_521, %dma_start3A_522] : memref<4000000x32xf32, #tpu.memory_space<hbm>> -> memref<4000000x32xf32, #tpu.memory_space<hbm>>
      tpu.enqueue_indirect_dma source(%dma_start3A_523 : memref<4000000x32xf32, #tpu.memory_space<hbm>>) target(%arg7 : memref<512x32xf32, #tpu.memory_space<vmem>>) offsets(%arg5 : memref<512xi32, #tpu.memory_space<vmem>>) semaphore(%arg11 : memref<!tpu.dma_semaphore, #tpu.memory_space<semaphore_mem>>)
      %dma_wait3A_524 = arith.constant 0 : i32
      %dma_wait3A_525 = arith.constant 0 : i32
      %dma_wait3A_526 = arith.constant 0 : i32
      %dma_wait3A_527 = arith.constant 0 : i32
      %dma_wait3A_528 = arith.constant 0 : i32
      %dma_wait3A_529 = arith.constant 0 : i32
      %dma_wait3A_530 = tpu.memref_slice %arg9[%dma_wait3A_524, %dma_wait3A_527, %dma_wait3A_528, %dma_wait3A_529] : memref<4x4x8x129xf32, #tpu.memory_space<vmem>> -> memref<1x4x8x128xf32, #tpu.memory_space<vmem>>
      %dma_wait3A_531 = tpu.memref_squeeze %dma_wait3A_530 : memref<1x4x8x128xf32, #tpu.memory_space<vmem>> -> memref<4x8x128xf32, #tpu.memory_space<vmem>>
      %dma_wait3A_532 = arith.constant 0 : i32
      %dma_wait3A_533 = arith.constant 0 : i32
      %dma_wait3A_534 = arith.constant 0 : i32
      %dma_wait3A_535 = tpu.memref_slice %arg4[%dma_wait3A_525, %dma_wait3A_526, %dma_wait3A_532, %dma_wait3A_533, %dma_wait3A_534] : memref<50x4x128x8x128xf32, #tpu.memory_space<hbm>> -> memref<1x1x4x8x128xf32, #tpu.memory_space<hbm>>
      %dma_wait3A_536 = tpu.memref_squeeze %dma_wait3A_535 : memref<1x1x4x8x128xf32, #tpu.memory_space<hbm>> -> memref<4x8x128xf32, #tpu.memory_space<hbm>>
      %dma_wait3A_537 = arith.constant 0 : i32
      %dma_wait3A_538 = arith.constant 0 : i32
      %dma_wait3A_539 = arith.constant 0 : i32
      %dma_wait3A_540 = tpu.memref_slice %arg4[%dma_wait3A_525, %dma_wait3A_526, %dma_wait3A_537, %dma_wait3A_538, %dma_wait3A_539] : memref<50x4x128x8x128xf32, #tpu.memory_space<hbm>> -> memref<1x1x4x8x128xf32, #tpu.memory_space<hbm>>
      %dma_wait3A_541 = tpu.memref_squeeze %dma_wait3A_540 : memref<1x1x4x8x128xf32, #tpu.memory_space<hbm>> -> memref<4x8x128xf32, #tpu.memory_space<hbm>>
      %dma_wait3A_542 = arith.constant 0 : i32
      %dma_wait3A_543 = arith.constant 0 : i32
      %dma_wait3A_544 = arith.constant 0 : i32
      %dma_wait3A_545 = tpu.memref_slice %arg9[%dma_wait3A_524, %dma_wait3A_542, %dma_wait3A_543, %dma_wait3A_544] : memref<4x4x8x129xf32, #tpu.memory_space<vmem>> -> memref<1x4x8x128xf32, #tpu.memory_space<vmem>>
      %dma_wait3A_546 = tpu.memref_squeeze %dma_wait3A_545 : memref<1x4x8x128xf32, #tpu.memory_space<vmem>> -> memref<4x8x128xf32, #tpu.memory_space<vmem>>
      tpu.wait_dma2 semaphore(%arg13 : memref<!tpu.dma_semaphore, #tpu.memory_space<semaphore_mem>>) src(%dma_wait3A_546 : memref<4x8x128xf32, #tpu.memory_space<vmem>>) dst(%dma_wait3A_541 : memref<4x8x128xf32, #tpu.memory_space<hbm>>)
      %dma_wait3A_547 = arith.constant 1 : i32
      %dma_wait3A_548 = arith.constant 0 : i32
      %dma_wait3A_549 = arith.constant 1 : i32
      %dma_wait3A_550 = arith.constant 0 : i32
      %dma_wait3A_551 = arith.constant 0 : i32
      %dma_wait3A_552 = arith.constant 0 : i32
      %dma_wait3A_553 = tpu.memref_slice %arg9[%dma_wait3A_547, %dma_wait3A_550, %dma_wait3A_551, %dma_wait3A_552] : memref<4x4x8x129xf32, #tpu.memory_space<vmem>> -> memref<1x4x8x128xf32, #tpu.memory_space<vmem>>
      %dma_wait3A_554 = tpu.memref_squeeze %dma_wait3A_553 : memref<1x4x8x128xf32, #tpu.memory_space<vmem>> -> memref<4x8x128xf32, #tpu.memory_space<vmem>>
      %dma_wait3A_555 = arith.constant 0 : i32
      %dma_wait3A_556 = arith.constant 0 : i32
      %dma_wait3A_557 = arith.constant 0 : i32
      %dma_wait3A_558 = tpu.memref_slice %arg4[%dma_wait3A_548, %dma_wait3A_549, %dma_wait3A_555, %dma_wait3A_556, %dma_wait3A_557] : memref<50x4x128x8x128xf32, #tpu.memory_space<hbm>> -> memref<1x1x4x8x128xf32, #tpu.memory_space<hbm>>
      %dma_wait3A_559 = tpu.memref_squeeze %dma_wait3A_558 : memref<1x1x4x8x128xf32, #tpu.memory_space<hbm>> -> memref<4x8x128xf32, #tpu.memory_space<hbm>>
      %dma_wait3A_560 = arith.constant 0 : i32
      %dma_wait3A_561 = arith.constant 0 : i32
      %dma_wait3A_562 = arith.constant 0 : i32
      %dma_wait3A_563 = tpu.memref_slice %arg4[%dma_wait3A_548, %dma_wait3A_549, %dma_wait3A_560, %dma_wait3A_561, %dma_wait3A_562] : memref<50x4x128x8x128xf32, #tpu.memory_space<hbm>> -> memref<1x1x4x8x128xf32, #tpu.memory_space<hbm>>
      %dma_wait3A_564 = tpu.memref_squeeze %dma_wait3A_563 : memref<1x1x4x8x128xf32, #tpu.memory_space<hbm>> -> memref<4x8x128xf32, #tpu.memory_space<hbm>>
      %dma_wait3A_565 = arith.constant 0 : i32
      %dma_wait3A_566 = arith.constant 0 : i32
      %dma_wait3A_567 = arith.constant 0 : i32
      %dma_wait3A_568 = tpu.memref_slice %arg9[%dma_wait3A_547, %dma_wait3A_565, %dma_wait3A_566, %dma_wait3A_567] : memref<4x4x8x129xf32, #tpu.memory_space<vmem>> -> memref<1x4x8x128xf32, #tpu.memory_space<vmem>>
      %dma_wait3A_569 = tpu.memref_squeeze %dma_wait3A_568 : memref<1x4x8x128xf32, #tpu.memory_space<vmem>> -> memref<4x8x128xf32, #tpu.memory_space<vmem>>
      tpu.wait_dma2 semaphore(%arg13 : memref<!tpu.dma_semaphore, #tpu.memory_space<semaphore_mem>>) src(%dma_wait3A_569 : memref<4x8x128xf32, #tpu.memory_space<vmem>>) dst(%dma_wait3A_564 : memref<4x8x128xf32, #tpu.memory_space<hbm>>)
      %dma_wait3A_570 = arith.constant 2 : i32
      %dma_wait3A_571 = arith.constant 0 : i32
      %dma_wait3A_572 = arith.constant 2 : i32
      %dma_wait3A_573 = arith.constant 0 : i32
      %dma_wait3A_574 = arith.constant 0 : i32
      %dma_wait3A_575 = arith.constant 0 : i32
      %dma_wait3A_576 = tpu.memref_slice %arg9[%dma_wait3A_570, %dma_wait3A_573, %dma_wait3A_574, %dma_wait3A_575] : memref<4x4x8x129xf32, #tpu.memory_space<vmem>> -> memref<1x4x8x128xf32, #tpu.memory_space<vmem>>
      %dma_wait3A_577 = tpu.memref_squeeze %dma_wait3A_576 : memref<1x4x8x128xf32, #tpu.memory_space<vmem>> -> memref<4x8x128xf32, #tpu.memory_space<vmem>>
      %dma_wait3A_578 = arith.constant 0 : i32
      %dma_wait3A_579 = arith.constant 0 : i32
      %dma_wait3A_580 = arith.constant 0 : i32
      %dma_wait3A_581 = tpu.memref_slice %arg4[%dma_wait3A_571, %dma_wait3A_572, %dma_wait3A_578, %dma_wait3A_579, %dma_wait3A_580] : memref<50x4x128x8x128xf32, #tpu.memory_space<hbm>> -> memref<1x1x4x8x128xf32, #tpu.memory_space<hbm>>
      %dma_wait3A_582 = tpu.memref_squeeze %dma_wait3A_581 : memref<1x1x4x8x128xf32, #tpu.memory_space<hbm>> -> memref<4x8x128xf32, #tpu.memory_space<hbm>>
      %dma_wait3A_583 = arith.constant 0 : i32
      %dma_wait3A_584 = arith.constant 0 : i32
      %dma_wait3A_585 = arith.constant 0 : i32
      %dma_wait3A_586 = tpu.memref_slice %arg4[%dma_wait3A_571, %dma_wait3A_572, %dma_wait3A_583, %dma_wait3A_584, %dma_wait3A_585] : memref<50x4x128x8x128xf32, #tpu.memory_space<hbm>> -> memref<1x1x4x8x128xf32, #tpu.memory_space<hbm>>
      %dma_wait3A_587 = tpu.memref_squeeze %dma_wait3A_586 : memref<1x1x4x8x128xf32, #tpu.memory_space<hbm>> -> memref<4x8x128xf32, #tpu.memory_space<hbm>>
      %dma_wait3A_588 = arith.constant 0 : i32
      %dma_wait3A_589 = arith.constant 0 : i32
      %dma_wait3A_590 = arith.constant 0 : i32
      %dma_wait3A_591 = tpu.memref_slice %arg9[%dma_wait3A_570, %dma_wait3A_588, %dma_wait3A_589, %dma_wait3A_590] : memref<4x4x8x129xf32, #tpu.memory_space<vmem>> -> memref<1x4x8x128xf32, #tpu.memory_space<vmem>>
      %dma_wait3A_592 = tpu.memref_squeeze %dma_wait3A_591 : memref<1x4x8x128xf32, #tpu.memory_space<vmem>> -> memref<4x8x128xf32, #tpu.memory_space<vmem>>
      tpu.wait_dma2 semaphore(%arg13 : memref<!tpu.dma_semaphore, #tpu.memory_space<semaphore_mem>>) src(%dma_wait3A_592 : memref<4x8x128xf32, #tpu.memory_space<vmem>>) dst(%dma_wait3A_587 : memref<4x8x128xf32, #tpu.memory_space<hbm>>)
      %dma_wait3A_593 = arith.constant 3 : i32
      %dma_wait3A_594 = arith.constant 0 : i32
      %dma_wait3A_595 = arith.constant 3 : i32
      %dma_wait3A_596 = arith.constant 0 : i32
      %dma_wait3A_597 = arith.constant 0 : i32
      %dma_wait3A_598 = arith.constant 0 : i32
      %dma_wait3A_599 = tpu.memref_slice %arg9[%dma_wait3A_593, %dma_wait3A_596, %dma_wait3A_597, %dma_wait3A_598] : memref<4x4x8x129xf32, #tpu.memory_space<vmem>> -> memref<1x4x8x128xf32, #tpu.memory_space<vmem>>
      %dma_wait3A_600 = tpu.memref_squeeze %dma_wait3A_599 : memref<1x4x8x128xf32, #tpu.memory_space<vmem>> -> memref<4x8x128xf32, #tpu.memory_space<vmem>>
      %dma_wait3A_601 = arith.constant 0 : i32
      %dma_wait3A_602 = arith.constant 0 : i32
      %dma_wait3A_603 = arith.constant 0 : i32
      %dma_wait3A_604 = tpu.memref_slice %arg4[%dma_wait3A_594, %dma_wait3A_595, %dma_wait3A_601, %dma_wait3A_602, %dma_wait3A_603] : memref<50x4x128x8x128xf32, #tpu.memory_space<hbm>> -> memref<1x1x4x8x128xf32, #tpu.memory_space<hbm>>
      %dma_wait3A_605 = tpu.memref_squeeze %dma_wait3A_604 : memref<1x1x4x8x128xf32, #tpu.memory_space<hbm>> -> memref<4x8x128xf32, #tpu.memory_space<hbm>>
      %dma_wait3A_606 = arith.constant 0 : i32
      %dma_wait3A_607 = arith.constant 0 : i32
      %dma_wait3A_608 = arith.constant 0 : i32
      %dma_wait3A_609 = tpu.memref_slice %arg4[%dma_wait3A_594, %dma_wait3A_595, %dma_wait3A_606, %dma_wait3A_607, %dma_wait3A_608] : memref<50x4x128x8x128xf32, #tpu.memory_space<hbm>> -> memref<1x1x4x8x128xf32, #tpu.memory_space<hbm>>
      %dma_wait3A_610 = tpu.memref_squeeze %dma_wait3A_609 : memref<1x1x4x8x128xf32, #tpu.memory_space<hbm>> -> memref<4x8x128xf32, #tpu.memory_space<hbm>>
      %dma_wait3A_611 = arith.constant 0 : i32
      %dma_wait3A_612 = arith.constant 0 : i32
      %dma_wait3A_613 = arith.constant 0 : i32
      %dma_wait3A_614 = tpu.memref_slice %arg9[%dma_wait3A_593, %dma_wait3A_611, %dma_wait3A_612, %dma_wait3A_613] : memref<4x4x8x129xf32, #tpu.memory_space<vmem>> -> memref<1x4x8x128xf32, #tpu.memory_space<vmem>>
      %dma_wait3A_615 = tpu.memref_squeeze %dma_wait3A_614 : memref<1x4x8x128xf32, #tpu.memory_space<vmem>> -> memref<4x8x128xf32, #tpu.memory_space<vmem>>
      tpu.wait_dma2 semaphore(%arg13 : memref<!tpu.dma_semaphore, #tpu.memory_space<semaphore_mem>>) src(%dma_wait3A_615 : memref<4x8x128xf32, #tpu.memory_space<vmem>>) dst(%dma_wait3A_610 : memref<4x8x128xf32, #tpu.memory_space<hbm>>)
      %parallel_loop3A_616 = arith.constant 0 : i32
      %parallel_loop3A_617 = arith.constant 512 : i32
      %parallel_loop3A_618 = arith.constant 1 : i32
      scf.for %parallel_loop3A_972 = %parallel_loop3A_616 to %parallel_loop3A_617 step %parallel_loop3A_618  : i32 {
        %parallel_loop3A_973 = arith.constant 128 : i32
        %parallel_loop3A_974 = arith.divsi %parallel_loop3A_972, %parallel_loop3A_973 : i32
        %parallel_loop3A_975 = arith.constant 0 : i32
        %parallel_loop3A_976 = arith.cmpi sgt, %parallel_loop3A_972, %parallel_loop3A_975 : i32
        %parallel_loop3A_977 = arith.extui %parallel_loop3A_976 : i1 to i32
        %parallel_loop3A_978 = arith.constant 0 : i32
        %parallel_loop3A_979 = arith.cmpi slt, %parallel_loop3A_972, %parallel_loop3A_978 : i32
        %parallel_loop3A_980 = arith.extui %parallel_loop3A_979 : i1 to i32
        %parallel_loop3A_981 = arith.subi %parallel_loop3A_977, %parallel_loop3A_980 : i32
        %parallel_loop3A_982 = arith.constant 0 : i32
        %parallel_loop3A_983 = arith.cmpi sgt, %parallel_loop3A_973, %parallel_loop3A_982 : i32
        %parallel_loop3A_984 = arith.extui %parallel_loop3A_983 : i1 to i32
        %parallel_loop3A_985 = arith.constant 0 : i32
        %parallel_loop3A_986 = arith.cmpi slt, %parallel_loop3A_973, %parallel_loop3A_985 : i32
        %parallel_loop3A_987 = arith.extui %parallel_loop3A_986 : i1 to i32
        %parallel_loop3A_988 = arith.subi %parallel_loop3A_984, %parallel_loop3A_987 : i32
        %parallel_loop3A_989 = arith.cmpi ne, %parallel_loop3A_981, %parallel_loop3A_988 : i32
        %parallel_loop3A_990 = arith.remsi %parallel_loop3A_972, %parallel_loop3A_973 : i32
        %parallel_loop3A_991 = arith.constant 0 : i32
        %parallel_loop3A_992 = arith.cmpi ne, %parallel_loop3A_990, %parallel_loop3A_991 : i32
        %parallel_loop3A_993 = arith.andi %parallel_loop3A_989, %parallel_loop3A_992 : i1
        %parallel_loop3A_994 = arith.constant 1 : i32
        %parallel_loop3A_995 = arith.subi %parallel_loop3A_974, %parallel_loop3A_994 : i32
        %parallel_loop3A_996 = arith.select %parallel_loop3A_993, %parallel_loop3A_995, %parallel_loop3A_974 : i32
        %parallel_loop3A_997 = vector.broadcast %parallel_loop3A_996 : i32 to vector<16xi32>
        %parallel_loop3A_998 = arith.constant 128 : i32
        %parallel_loop3A_999 = arith.constant 0 : i32
        %parallel_loop3A_1000 = arith.cmpi eq, %parallel_loop3A_998, %parallel_loop3A_999 : i32
        %parallel_loop3A_1001 = arith.constant 1 : i32
        %parallel_loop3A_1002 = arith.select %parallel_loop3A_1000, %parallel_loop3A_1001, %parallel_loop3A_998 : i32
        %parallel_loop3A_1003 = arith.remsi %parallel_loop3A_972, %parallel_loop3A_1002 : i32
        %parallel_loop3A_1004 = arith.constant 0 : i32
        %parallel_loop3A_1005 = arith.cmpi ne, %parallel_loop3A_1003, %parallel_loop3A_1004 : i32
        %parallel_loop3A_1006 = arith.constant 0 : i32
        %parallel_loop3A_1007 = arith.cmpi slt, %parallel_loop3A_1003, %parallel_loop3A_1006 : i32
        %parallel_loop3A_1008 = arith.constant 0 : i32
        %parallel_loop3A_1009 = arith.cmpi slt, %parallel_loop3A_1002, %parallel_loop3A_1008 : i32
        %parallel_loop3A_1010 = arith.xori %parallel_loop3A_1007, %parallel_loop3A_1009 : i1
        %parallel_loop3A_1011 = arith.andi %parallel_loop3A_1010, %parallel_loop3A_1005 : i1
        %parallel_loop3A_1012 = arith.addi %parallel_loop3A_1003, %parallel_loop3A_1002 : i32
        %parallel_loop3A_1013 = arith.select %parallel_loop3A_1011, %parallel_loop3A_1012, %parallel_loop3A_1003 : i32
        %parallel_loop3A_1014 = vector.broadcast %parallel_loop3A_1013 : i32 to vector<16xi32>
        %parallel_loop3A_1015 = arith.index_cast %parallel_loop3A_972 : i32 to index
        %parallel_loop3A_1016 = arith.constant 0 : index
        %parallel_loop3A_1017 = tpu.vector_load %arg8[%parallel_loop3A_1015, %parallel_loop3A_1016] {strides = array<i32>} : memref<512x32xf32, #tpu.memory_space<vmem>>, vector<16xf32>,
        tpu.vector_store_idx %arg10[%select_n3A, %parallel_loop3A_997, %select_n3A_48, %parallel_loop3A_1014], %parallel_loop3A_1017 : memref<4x4x8x129xf32, #tpu.memory_space<vmem>>[vector<16xi32>, vector<16xi32>, vector<16xi32>, vector<16xi32>], vector<16xf32>,
        %parallel_loop3A_1018 = arith.index_cast %parallel_loop3A_972 : i32 to index
        %parallel_loop3A_1019 = arith.constant 16 : index
        %parallel_loop3A_1020 = tpu.vector_load %arg8[%parallel_loop3A_1018, %parallel_loop3A_1019] {strides = array<i32>} : memref<512x32xf32, #tpu.memory_space<vmem>>, vector<16xf32>,
        tpu.vector_store_idx %arg10[%add3A_28, %parallel_loop3A_997, %select_n3A_48, %parallel_loop3A_1014], %parallel_loop3A_1020 : memref<4x4x8x129xf32, #tpu.memory_space<vmem>>[vector<16xi32>, vector<16xi32>, vector<16xi32>, vector<16xi32>], vector<16xf32>,
      } {sc.loop_unroll_factor = 8 : i64, sc.parallel_access}
      %barrier3A_619 = arith.constant 0 : index
      tpu.barrier barrier_id(%barrier3A_619)
      %jit3A_620 = arith.constant 32 : i32
      %div3A_621 = arith.divsi %add3A_513, %jit3A_620 : i32
      %sign3A_622 = arith.constant 0 : i32
      %sign3A_623 = arith.cmpi sgt, %add3A_513, %sign3A_622 : i32
      %sign3A_624 = arith.extui %sign3A_623 : i1 to i32
      %sign3A_625 = arith.constant 0 : i32
      %sign3A_626 = arith.cmpi slt, %add3A_513, %sign3A_625 : i32
      %sign3A_627 = arith.extui %sign3A_626 : i1 to i32
      %sign3A_628 = arith.subi %sign3A_624, %sign3A_627 : i32
      %sign3A_629 = arith.constant 0 : i32
      %sign3A_630 = arith.cmpi sgt, %jit3A_620, %sign3A_629 : i32
      %sign3A_631 = arith.extui %sign3A_630 : i1 to i32
      %sign3A_632 = arith.constant 0 : i32
      %sign3A_633 = arith.cmpi slt, %jit3A_620, %sign3A_632 : i32
      %sign3A_634 = arith.extui %sign3A_633 : i1 to i32
      %sign3A_635 = arith.subi %sign3A_631, %sign3A_634 : i32
      %ne3A_636 = arith.cmpi ne, %sign3A_628, %sign3A_635 : i32
      %rem3A_637 = arith.remsi %add3A_513, %jit3A_620 : i32
      %ne3A_638 = arith.constant 0 : i32
      %ne3A_639 = arith.cmpi ne, %rem3A_637, %ne3A_638 : i32
      %and3A_640 = arith.andi %ne3A_636, %ne3A_639 : i1
      %sub3A_641 = arith.constant 1 : i32
      %sub3A_642 = arith.subi %div3A_621, %sub3A_641 : i32
      %select_n3A_643 = arith.select %and3A_640, %sub3A_642, %div3A_621 : i32
      %jit3A_644 = arith.constant 32 : i32
      %eq3A_645 = arith.constant 0 : i32
      %eq3A_646 = arith.cmpi eq, %jit3A_644, %eq3A_645 : i32
      %jit3A_647 = arith.constant 1 : i32
      %select_n3A_648 = arith.select %eq3A_646, %jit3A_647, %jit3A_644 : i32
      %rem3A_649 = arith.remsi %add3A_513, %select_n3A_648 : i32
      %ne3A_650 = arith.constant 0 : i32
      %ne3A_651 = arith.cmpi ne, %rem3A_649, %ne3A_650 : i32
      %lt3A_652 = arith.constant 0 : i32
      %lt3A_653 = arith.cmpi slt, %rem3A_649, %lt3A_652 : i32
      %lt3A_654 = arith.constant 0 : i32
      %lt3A_655 = arith.cmpi slt, %select_n3A_648, %lt3A_654 : i32
      %ne3A_656 = arith.xori %lt3A_653, %lt3A_655 : i1
      %and3A_657 = arith.andi %ne3A_656, %ne3A_651 : i1
      %add3A_658 = arith.addi %rem3A_649, %select_n3A_648 : i32
      %select_n3A_659 = arith.select %and3A_657, %add3A_658, %rem3A_649 : i32
      %mul3A_660 = arith.constant 4 : i32
      %mul3A_661 = arith.muli %select_n3A_659, %mul3A_660 : i32
      %dma_start3A_662 = arith.constant 0 : i32
      %dma_start3A_663 = arith.constant 0 : i32
      %dma_start3A_664 = arith.constant 0 : i32
      %dma_start3A_665 = arith.constant 0 : i32
      %dma_start3A_666 = arith.constant 0 : i32
      %dma_start3A_667 = tpu.memref_slice %arg10[%dma_start3A_662, %dma_start3A_664, %dma_start3A_665, %dma_start3A_666] : memref<4x4x8x129xf32, #tpu.memory_space<vmem>> -> memref<1x4x8x128xf32, #tpu.memory_space<vmem>>
      %dma_start3A_668 = tpu.memref_squeeze %dma_start3A_667 : memref<1x4x8x128xf32, #tpu.memory_space<vmem>> -> memref<4x8x128xf32, #tpu.memory_space<vmem>>
      %dma_start3A_669 = arith.constant 0 : i32
      %dma_start3A_670 = arith.constant 0 : i32
      %dma_start3A_671 = tpu.memref_slice %arg4[%select_n3A_643, %dma_start3A_663, %mul3A_661, %dma_start3A_669, %dma_start3A_670] : memref<50x4x128x8x128xf32, #tpu.memory_space<hbm>> -> memref<1x1x4x8x128xf32, #tpu.memory_space<hbm>>
      %dma_start3A_672 = tpu.memref_squeeze %dma_start3A_671 : memref<1x1x4x8x128xf32, #tpu.memory_space<hbm>> -> memref<4x8x128xf32, #tpu.memory_space<hbm>>
      %dma_start3A_673 = arith.constant 0 : i32
      %dma_start3A_674 = arith.constant 0 : i32
      %dma_start3A_675 = tpu.memref_slice %arg4[%select_n3A_643, %dma_start3A_663, %mul3A_661, %dma_start3A_673, %dma_start3A_674] : memref<50x4x128x8x128xf32, #tpu.memory_space<hbm>> -> memref<1x1x4x8x128xf32, #tpu.memory_space<hbm>>
      %dma_start3A_676 = tpu.memref_squeeze %dma_start3A_675 : memref<1x1x4x8x128xf32, #tpu.memory_space<hbm>> -> memref<4x8x128xf32, #tpu.memory_space<hbm>>
      %dma_start3A_677 = arith.constant 0 : i32
      %dma_start3A_678 = arith.constant 0 : i32
      %dma_start3A_679 = arith.constant 0 : i32
      %dma_start3A_680 = tpu.memref_slice %arg10[%dma_start3A_662, %dma_start3A_677, %dma_start3A_678, %dma_start3A_679] : memref<4x4x8x129xf32, #tpu.memory_space<vmem>> -> memref<1x4x8x128xf32, #tpu.memory_space<vmem>>
      %dma_start3A_681 = tpu.memref_squeeze %dma_start3A_680 : memref<1x4x8x128xf32, #tpu.memory_space<vmem>> -> memref<4x8x128xf32, #tpu.memory_space<vmem>>
      tpu.enqueue_dma source(%dma_start3A_681 : memref<4x8x128xf32, #tpu.memory_space<vmem>>) target(%dma_start3A_676 : memref<4x8x128xf32, #tpu.memory_space<hbm>>) target_semaphore(%arg13 : memref<!tpu.dma_semaphore, #tpu.memory_space<semaphore_mem>>)
      %dma_start3A_682 = arith.constant 1 : i32
      %dma_start3A_683 = arith.constant 1 : i32
      %dma_start3A_684 = arith.constant 0 : i32
      %dma_start3A_685 = arith.constant 0 : i32
      %dma_start3A_686 = arith.constant 0 : i32
      %dma_start3A_687 = tpu.memref_slice %arg10[%dma_start3A_682, %dma_start3A_684, %dma_start3A_685, %dma_start3A_686] : memref<4x4x8x129xf32, #tpu.memory_space<vmem>> -> memref<1x4x8x128xf32, #tpu.memory_space<vmem>>
      %dma_start3A_688 = tpu.memref_squeeze %dma_start3A_687 : memref<1x4x8x128xf32, #tpu.memory_space<vmem>> -> memref<4x8x128xf32, #tpu.memory_space<vmem>>
      %dma_start3A_689 = arith.constant 0 : i32
      %dma_start3A_690 = arith.constant 0 : i32
      %dma_start3A_691 = tpu.memref_slice %arg4[%select_n3A_643, %dma_start3A_683, %mul3A_661, %dma_start3A_689, %dma_start3A_690] : memref<50x4x128x8x128xf32, #tpu.memory_space<hbm>> -> memref<1x1x4x8x128xf32, #tpu.memory_space<hbm>>
      %dma_start3A_692 = tpu.memref_squeeze %dma_start3A_691 : memref<1x1x4x8x128xf32, #tpu.memory_space<hbm>> -> memref<4x8x128xf32, #tpu.memory_space<hbm>>
      %dma_start3A_693 = arith.constant 0 : i32
      %dma_start3A_694 = arith.constant 0 : i32
      %dma_start3A_695 = tpu.memref_slice %arg4[%select_n3A_643, %dma_start3A_683, %mul3A_661, %dma_start3A_693, %dma_start3A_694] : memref<50x4x128x8x128xf32, #tpu.memory_space<hbm>> -> memref<1x1x4x8x128xf32, #tpu.memory_space<hbm>>
      %dma_start3A_696 = tpu.memref_squeeze %dma_start3A_695 : memref<1x1x4x8x128xf32, #tpu.memory_space<hbm>> -> memref<4x8x128xf32, #tpu.memory_space<hbm>>
      %dma_start3A_697 = arith.constant 0 : i32
      %dma_start3A_698 = arith.constant 0 : i32
      %dma_start3A_699 = arith.constant 0 : i32
      %dma_start3A_700 = tpu.memref_slice %arg10[%dma_start3A_682, %dma_start3A_697, %dma_start3A_698, %dma_start3A_699] : memref<4x4x8x129xf32, #tpu.memory_space<vmem>> -> memref<1x4x8x128xf32, #tpu.memory_space<vmem>>
      %dma_start3A_701 = tpu.memref_squeeze %dma_start3A_700 : memref<1x4x8x128xf32, #tpu.memory_space<vmem>> -> memref<4x8x128xf32, #tpu.memory_space<vmem>>
      tpu.enqueue_dma source(%dma_start3A_701 : memref<4x8x128xf32, #tpu.memory_space<vmem>>) target(%dma_start3A_696 : memref<4x8x128xf32, #tpu.memory_space<hbm>>) target_semaphore(%arg13 : memref<!tpu.dma_semaphore, #tpu.memory_space<semaphore_mem>>)
      %dma_start3A_702 = arith.constant 2 : i32
      %dma_start3A_703 = arith.constant 2 : i32
      %dma_start3A_704 = arith.constant 0 : i32
      %dma_start3A_705 = arith.constant 0 : i32
      %dma_start3A_706 = arith.constant 0 : i32
      %dma_start3A_707 = tpu.memref_slice %arg10[%dma_start3A_702, %dma_start3A_704, %dma_start3A_705, %dma_start3A_706] : memref<4x4x8x129xf32, #tpu.memory_space<vmem>> -> memref<1x4x8x128xf32, #tpu.memory_space<vmem>>
      %dma_start3A_708 = tpu.memref_squeeze %dma_start3A_707 : memref<1x4x8x128xf32, #tpu.memory_space<vmem>> -> memref<4x8x128xf32, #tpu.memory_space<vmem>>
      %dma_start3A_709 = arith.constant 0 : i32
      %dma_start3A_710 = arith.constant 0 : i32
      %dma_start3A_711 = tpu.memref_slice %arg4[%select_n3A_643, %dma_start3A_703, %mul3A_661, %dma_start3A_709, %dma_start3A_710] : memref<50x4x128x8x128xf32, #tpu.memory_space<hbm>> -> memref<1x1x4x8x128xf32, #tpu.memory_space<hbm>>
      %dma_start3A_712 = tpu.memref_squeeze %dma_start3A_711 : memref<1x1x4x8x128xf32, #tpu.memory_space<hbm>> -> memref<4x8x128xf32, #tpu.memory_space<hbm>>
      %dma_start3A_713 = arith.constant 0 : i32
      %dma_start3A_714 = arith.constant 0 : i32
      %dma_start3A_715 = tpu.memref_slice %arg4[%select_n3A_643, %dma_start3A_703, %mul3A_661, %dma_start3A_713, %dma_start3A_714] : memref<50x4x128x8x128xf32, #tpu.memory_space<hbm>> -> memref<1x1x4x8x128xf32, #tpu.memory_space<hbm>>
      %dma_start3A_716 = tpu.memref_squeeze %dma_start3A_715 : memref<1x1x4x8x128xf32, #tpu.memory_space<hbm>> -> memref<4x8x128xf32, #tpu.memory_space<hbm>>
      %dma_start3A_717 = arith.constant 0 : i32
      %dma_start3A_718 = arith.constant 0 : i32
      %dma_start3A_719 = arith.constant 0 : i32
      %dma_start3A_720 = tpu.memref_slice %arg10[%dma_start3A_702, %dma_start3A_717, %dma_start3A_718, %dma_start3A_719] : memref<4x4x8x129xf32, #tpu.memory_space<vmem>> -> memref<1x4x8x128xf32, #tpu.memory_space<vmem>>
      %dma_start3A_721 = tpu.memref_squeeze %dma_start3A_720 : memref<1x4x8x128xf32, #tpu.memory_space<vmem>> -> memref<4x8x128xf32, #tpu.memory_space<vmem>>
      tpu.enqueue_dma source(%dma_start3A_721 : memref<4x8x128xf32, #tpu.memory_space<vmem>>) target(%dma_start3A_716 : memref<4x8x128xf32, #tpu.memory_space<hbm>>) target_semaphore(%arg13 : memref<!tpu.dma_semaphore, #tpu.memory_space<semaphore_mem>>)
      %dma_start3A_722 = arith.constant 3 : i32
      %dma_start3A_723 = arith.constant 3 : i32
      %dma_start3A_724 = arith.constant 0 : i32
      %dma_start3A_725 = arith.constant 0 : i32
      %dma_start3A_726 = arith.constant 0 : i32
      %dma_start3A_727 = tpu.memref_slice %arg10[%dma_start3A_722, %dma_start3A_724, %dma_start3A_725, %dma_start3A_726] : memref<4x4x8x129xf32, #tpu.memory_space<vmem>> -> memref<1x4x8x128xf32, #tpu.memory_space<vmem>>
      %dma_start3A_728 = tpu.memref_squeeze %dma_start3A_727 : memref<1x4x8x128xf32, #tpu.memory_space<vmem>> -> memref<4x8x128xf32, #tpu.memory_space<vmem>>
      %dma_start3A_729 = arith.constant 0 : i32
      %dma_start3A_730 = arith.constant 0 : i32
      %dma_start3A_731 = tpu.memref_slice %arg4[%select_n3A_643, %dma_start3A_723, %mul3A_661, %dma_start3A_729, %dma_start3A_730] : memref<50x4x128x8x128xf32, #tpu.memory_space<hbm>> -> memref<1x1x4x8x128xf32, #tpu.memory_space<hbm>>
      %dma_start3A_732 = tpu.memref_squeeze %dma_start3A_731 : memref<1x1x4x8x128xf32, #tpu.memory_space<hbm>> -> memref<4x8x128xf32, #tpu.memory_space<hbm>>
      %dma_start3A_733 = arith.constant 0 : i32
      %dma_start3A_734 = arith.constant 0 : i32
      %dma_start3A_735 = tpu.memref_slice %arg4[%select_n3A_643, %dma_start3A_723, %mul3A_661, %dma_start3A_733, %dma_start3A_734] : memref<50x4x128x8x128xf32, #tpu.memory_space<hbm>> -> memref<1x1x4x8x128xf32, #tpu.memory_space<hbm>>
      %dma_start3A_736 = tpu.memref_squeeze %dma_start3A_735 : memref<1x1x4x8x128xf32, #tpu.memory_space<hbm>> -> memref<4x8x128xf32, #tpu.memory_space<hbm>>
      %dma_start3A_737 = arith.constant 0 : i32
      %dma_start3A_738 = arith.constant 0 : i32
      %dma_start3A_739 = arith.constant 0 : i32
      %dma_start3A_740 = tpu.memref_slice %arg10[%dma_start3A_722, %dma_start3A_737, %dma_start3A_738, %dma_start3A_739] : memref<4x4x8x129xf32, #tpu.memory_space<vmem>> -> memref<1x4x8x128xf32, #tpu.memory_space<vmem>>
      %dma_start3A_741 = tpu.memref_squeeze %dma_start3A_740 : memref<1x4x8x128xf32, #tpu.memory_space<vmem>> -> memref<4x8x128xf32, #tpu.memory_space<vmem>>
      tpu.enqueue_dma source(%dma_start3A_741 : memref<4x8x128xf32, #tpu.memory_space<vmem>>) target(%dma_start3A_736 : memref<4x8x128xf32, #tpu.memory_space<hbm>>) target_semaphore(%arg13 : memref<!tpu.dma_semaphore, #tpu.memory_space<semaphore_mem>>)
      %add3A_742 = arith.constant 1 : i32
      %add3A_743 = arith.addi %add3A_513, %add3A_742 : i32
      %dma_wait3A_744 = arith.constant 0 : i32
      %dma_wait3A_745 = arith.constant 0 : i32
      %dma_wait3A_746 = tpu.memref_slice %arg3[%dma_wait3A_744, %dma_wait3A_745] : memref<4000000x32xf32, #tpu.memory_space<hbm>> -> memref<4000000x32xf32, #tpu.memory_space<hbm>>
      tpu.wait_indirect_dma semaphore(%arg11 : memref<!tpu.dma_semaphore, #tpu.memory_space<semaphore_mem>>) src(%dma_wait3A_746 : memref<4000000x32xf32, #tpu.memory_space<hbm>>) dst(%arg7 : memref<512x32xf32, #tpu.memory_space<vmem>>)
      %add3A_747 = arith.constant 1 : i32
      %add3A_748 = arith.addi %add3A_743, %add3A_747 : i32
      %mul3A_749 = arith.constant 512 : i32
      %mul3A_750 = arith.muli %add3A_748, %mul3A_749 : i32
      "tpu.region"() ({
        %run_scoped3A = tpu.sem_alloc : memref<!tpu.dma_semaphore, #tpu.memory_space<semaphore_mem>>
        %dma_start3A_972 = tpu.memref_slice %arg2[%mul3A_750] : memref<819200xi32, #tpu.memory_space<hbm>> -> memref<512xi32, #tpu.memory_space<hbm>>
        %dma_start3A_973 = tpu.memref_slice %arg2[%mul3A_750] : memref<819200xi32, #tpu.memory_space<hbm>> -> memref<512xi32, #tpu.memory_space<hbm>>
        tpu.enqueue_dma source(%dma_start3A_973 : memref<512xi32, #tpu.memory_space<hbm>>) target(%arg6 : memref<512xi32, #tpu.memory_space<vmem>>) target_semaphore(%run_scoped3A : memref<!tpu.dma_semaphore, #tpu.memory_space<semaphore_mem>>)
        %dma_wait3A_974 = tpu.memref_slice %arg2[%mul3A_750] : memref<819200xi32, #tpu.memory_space<hbm>> -> memref<512xi32, #tpu.memory_space<hbm>>
        %dma_wait3A_975 = tpu.memref_slice %arg2[%mul3A_750] : memref<819200xi32, #tpu.memory_space<hbm>> -> memref<512xi32, #tpu.memory_space<hbm>>
        tpu.wait_dma2 semaphore(%run_scoped3A : memref<!tpu.dma_semaphore, #tpu.memory_space<semaphore_mem>>) src(%dma_wait3A_975 : memref<512xi32, #tpu.memory_space<hbm>>) dst(%arg6 : memref<512xi32, #tpu.memory_space<vmem>>)
        tpu.yield
      }) : () -> ()
      %dma_start3A_751 = arith.constant 0 : i32
      %dma_start3A_752 = arith.constant 0 : i32
      %dma_start3A_753 = tpu.memref_slice %arg3[%dma_start3A_751, %dma_start3A_752] : memref<4000000x32xf32, #tpu.memory_space<hbm>> -> memref<4000000x32xf32, #tpu.memory_space<hbm>>
      tpu.enqueue_indirect_dma source(%dma_start3A_753 : memref<4000000x32xf32, #tpu.memory_space<hbm>>) target(%arg8 : memref<512x32xf32, #tpu.memory_space<vmem>>) offsets(%arg6 : memref<512xi32, #tpu.memory_space<vmem>>) semaphore(%arg12 : memref<!tpu.dma_semaphore, #tpu.memory_space<semaphore_mem>>)
      %dma_wait3A_754 = arith.constant 0 : i32
      %dma_wait3A_755 = arith.constant 0 : i32
      %dma_wait3A_756 = arith.constant 0 : i32
      %dma_wait3A_757 = arith.constant 0 : i32
      %dma_wait3A_758 = arith.constant 0 : i32
      %dma_wait3A_759 = arith.constant 0 : i32
      %dma_wait3A_760 = tpu.memref_slice %arg10[%dma_wait3A_754, %dma_wait3A_757, %dma_wait3A_758, %dma_wait3A_759] : memref<4x4x8x129xf32, #tpu.memory_space<vmem>> -> memref<1x4x8x128xf32, #tpu.memory_space<vmem>>
      %dma_wait3A_761 = tpu.memref_squeeze %dma_wait3A_760 : memref<1x4x8x128xf32, #tpu.memory_space<vmem>> -> memref<4x8x128xf32, #tpu.memory_space<vmem>>
      %dma_wait3A_762 = arith.constant 0 : i32
      %dma_wait3A_763 = arith.constant 0 : i32
      %dma_wait3A_764 = arith.constant 0 : i32
      %dma_wait3A_765 = tpu.memref_slice %arg4[%dma_wait3A_755, %dma_wait3A_756, %dma_wait3A_762, %dma_wait3A_763, %dma_wait3A_764] : memref<50x4x128x8x128xf32, #tpu.memory_space<hbm>> -> memref<1x1x4x8x128xf32, #tpu.memory_space<hbm>>
      %dma_wait3A_766 = tpu.memref_squeeze %dma_wait3A_765 : memref<1x1x4x8x128xf32, #tpu.memory_space<hbm>> -> memref<4x8x128xf32, #tpu.memory_space<hbm>>
      %dma_wait3A_767 = arith.constant 0 : i32
      %dma_wait3A_768 = arith.constant 0 : i32
      %dma_wait3A_769 = arith.constant 0 : i32
      %dma_wait3A_770 = tpu.memref_slice %arg4[%dma_wait3A_755, %dma_wait3A_756, %dma_wait3A_767, %dma_wait3A_768, %dma_wait3A_769] : memref<50x4x128x8x128xf32, #tpu.memory_space<hbm>> -> memref<1x1x4x8x128xf32, #tpu.memory_space<hbm>>
      %dma_wait3A_771 = tpu.memref_squeeze %dma_wait3A_770 : memref<1x1x4x8x128xf32, #tpu.memory_space<hbm>> -> memref<4x8x128xf32, #tpu.memory_space<hbm>>
      %dma_wait3A_772 = arith.constant 0 : i32
      %dma_wait3A_773 = arith.constant 0 : i32
      %dma_wait3A_774 = arith.constant 0 : i32
      %dma_wait3A_775 = tpu.memref_slice %arg10[%dma_wait3A_754, %dma_wait3A_772, %dma_wait3A_773, %dma_wait3A_774] : memref<4x4x8x129xf32, #tpu.memory_space<vmem>> -> memref<1x4x8x128xf32, #tpu.memory_space<vmem>>
      %dma_wait3A_776 = tpu.memref_squeeze %dma_wait3A_775 : memref<1x4x8x128xf32, #tpu.memory_space<vmem>> -> memref<4x8x128xf32, #tpu.memory_space<vmem>>
      tpu.wait_dma2 semaphore(%arg13 : memref<!tpu.dma_semaphore, #tpu.memory_space<semaphore_mem>>) src(%dma_wait3A_776 : memref<4x8x128xf32, #tpu.memory_space<vmem>>) dst(%dma_wait3A_771 : memref<4x8x128xf32, #tpu.memory_space<hbm>>)
      %dma_wait3A_777 = arith.constant 1 : i32
      %dma_wait3A_778 = arith.constant 0 : i32
      %dma_wait3A_779 = arith.constant 1 : i32
      %dma_wait3A_780 = arith.constant 0 : i32
      %dma_wait3A_781 = arith.constant 0 : i32
      %dma_wait3A_782 = arith.constant 0 : i32
      %dma_wait3A_783 = tpu.memref_slice %arg10[%dma_wait3A_777, %dma_wait3A_780, %dma_wait3A_781, %dma_wait3A_782] : memref<4x4x8x129xf32, #tpu.memory_space<vmem>> -> memref<1x4x8x128xf32, #tpu.memory_space<vmem>>
      %dma_wait3A_784 = tpu.memref_squeeze %dma_wait3A_783 : memref<1x4x8x128xf32, #tpu.memory_space<vmem>> -> memref<4x8x128xf32, #tpu.memory_space<vmem>>
      %dma_wait3A_785 = arith.constant 0 : i32
      %dma_wait3A_786 = arith.constant 0 : i32
      %dma_wait3A_787 = arith.constant 0 : i32
      %dma_wait3A_788 = tpu.memref_slice %arg4[%dma_wait3A_778, %dma_wait3A_779, %dma_wait3A_785, %dma_wait3A_786, %dma_wait3A_787] : memref<50x4x128x8x128xf32, #tpu.memory_space<hbm>> -> memref<1x1x4x8x128xf32, #tpu.memory_space<hbm>>
      %dma_wait3A_789 = tpu.memref_squeeze %dma_wait3A_788 : memref<1x1x4x8x128xf32, #tpu.memory_space<hbm>> -> memref<4x8x128xf32, #tpu.memory_space<hbm>>
      %dma_wait3A_790 = arith.constant 0 : i32
      %dma_wait3A_791 = arith.constant 0 : i32
      %dma_wait3A_792 = arith.constant 0 : i32
      %dma_wait3A_793 = tpu.memref_slice %arg4[%dma_wait3A_778, %dma_wait3A_779, %dma_wait3A_790, %dma_wait3A_791, %dma_wait3A_792] : memref<50x4x128x8x128xf32, #tpu.memory_space<hbm>> -> memref<1x1x4x8x128xf32, #tpu.memory_space<hbm>>
      %dma_wait3A_794 = tpu.memref_squeeze %dma_wait3A_793 : memref<1x1x4x8x128xf32, #tpu.memory_space<hbm>> -> memref<4x8x128xf32, #tpu.memory_space<hbm>>
      %dma_wait3A_795 = arith.constant 0 : i32
      %dma_wait3A_796 = arith.constant 0 : i32
      %dma_wait3A_797 = arith.constant 0 : i32
      %dma_wait3A_798 = tpu.memref_slice %arg10[%dma_wait3A_777, %dma_wait3A_795, %dma_wait3A_796, %dma_wait3A_797] : memref<4x4x8x129xf32, #tpu.memory_space<vmem>> -> memref<1x4x8x128xf32, #tpu.memory_space<vmem>>
      %dma_wait3A_799 = tpu.memref_squeeze %dma_wait3A_798 : memref<1x4x8x128xf32, #tpu.memory_space<vmem>> -> memref<4x8x128xf32, #tpu.memory_space<vmem>>
      tpu.wait_dma2 semaphore(%arg13 : memref<!tpu.dma_semaphore, #tpu.memory_space<semaphore_mem>>) src(%dma_wait3A_799 : memref<4x8x128xf32, #tpu.memory_space<vmem>>) dst(%dma_wait3A_794 : memref<4x8x128xf32, #tpu.memory_space<hbm>>)
      %dma_wait3A_800 = arith.constant 2 : i32
      %dma_wait3A_801 = arith.constant 0 : i32
      %dma_wait3A_802 = arith.constant 2 : i32
      %dma_wait3A_803 = arith.constant 0 : i32
      %dma_wait3A_804 = arith.constant 0 : i32
      %dma_wait3A_805 = arith.constant 0 : i32
      %dma_wait3A_806 = tpu.memref_slice %arg10[%dma_wait3A_800, %dma_wait3A_803, %dma_wait3A_804, %dma_wait3A_805] : memref<4x4x8x129xf32, #tpu.memory_space<vmem>> -> memref<1x4x8x128xf32, #tpu.memory_space<vmem>>
      %dma_wait3A_807 = tpu.memref_squeeze %dma_wait3A_806 : memref<1x4x8x128xf32, #tpu.memory_space<vmem>> -> memref<4x8x128xf32, #tpu.memory_space<vmem>>
      %dma_wait3A_808 = arith.constant 0 : i32
      %dma_wait3A_809 = arith.constant 0 : i32
      %dma_wait3A_810 = arith.constant 0 : i32
      %dma_wait3A_811 = tpu.memref_slice %arg4[%dma_wait3A_801, %dma_wait3A_802, %dma_wait3A_808, %dma_wait3A_809, %dma_wait3A_810] : memref<50x4x128x8x128xf32, #tpu.memory_space<hbm>> -> memref<1x1x4x8x128xf32, #tpu.memory_space<hbm>>
      %dma_wait3A_812 = tpu.memref_squeeze %dma_wait3A_811 : memref<1x1x4x8x128xf32, #tpu.memory_space<hbm>> -> memref<4x8x128xf32, #tpu.memory_space<hbm>>
      %dma_wait3A_813 = arith.constant 0 : i32
      %dma_wait3A_814 = arith.constant 0 : i32
      %dma_wait3A_815 = arith.constant 0 : i32
      %dma_wait3A_816 = tpu.memref_slice %arg4[%dma_wait3A_801, %dma_wait3A_802, %dma_wait3A_813, %dma_wait3A_814, %dma_wait3A_815] : memref<50x4x128x8x128xf32, #tpu.memory_space<hbm>> -> memref<1x1x4x8x128xf32, #tpu.memory_space<hbm>>
      %dma_wait3A_817 = tpu.memref_squeeze %dma_wait3A_816 : memref<1x1x4x8x128xf32, #tpu.memory_space<hbm>> -> memref<4x8x128xf32, #tpu.memory_space<hbm>>
      %dma_wait3A_818 = arith.constant 0 : i32
      %dma_wait3A_819 = arith.constant 0 : i32
      %dma_wait3A_820 = arith.constant 0 : i32
      %dma_wait3A_821 = tpu.memref_slice %arg10[%dma_wait3A_800, %dma_wait3A_818, %dma_wait3A_819, %dma_wait3A_820] : memref<4x4x8x129xf32, #tpu.memory_space<vmem>> -> memref<1x4x8x128xf32, #tpu.memory_space<vmem>>
      %dma_wait3A_822 = tpu.memref_squeeze %dma_wait3A_821 : memref<1x4x8x128xf32, #tpu.memory_space<vmem>> -> memref<4x8x128xf32, #tpu.memory_space<vmem>>
      tpu.wait_dma2 semaphore(%arg13 : memref<!tpu.dma_semaphore, #tpu.memory_space<semaphore_mem>>) src(%dma_wait3A_822 : memref<4x8x128xf32, #tpu.memory_space<vmem>>) dst(%dma_wait3A_817 : memref<4x8x128xf32, #tpu.memory_space<hbm>>)
      %dma_wait3A_823 = arith.constant 3 : i32
      %dma_wait3A_824 = arith.constant 0 : i32
      %dma_wait3A_825 = arith.constant 3 : i32
      %dma_wait3A_826 = arith.constant 0 : i32
      %dma_wait3A_827 = arith.constant 0 : i32
      %dma_wait3A_828 = arith.constant 0 : i32
      %dma_wait3A_829 = tpu.memref_slice %arg10[%dma_wait3A_823, %dma_wait3A_826, %dma_wait3A_827, %dma_wait3A_828] : memref<4x4x8x129xf32, #tpu.memory_space<vmem>> -> memref<1x4x8x128xf32, #tpu.memory_space<vmem>>
      %dma_wait3A_830 = tpu.memref_squeeze %dma_wait3A_829 : memref<1x4x8x128xf32, #tpu.memory_space<vmem>> -> memref<4x8x128xf32, #tpu.memory_space<vmem>>
      %dma_wait3A_831 = arith.constant 0 : i32
      %dma_wait3A_832 = arith.constant 0 : i32
      %dma_wait3A_833 = arith.constant 0 : i32
      %dma_wait3A_834 = tpu.memref_slice %arg4[%dma_wait3A_824, %dma_wait3A_825, %dma_wait3A_831, %dma_wait3A_832, %dma_wait3A_833] : memref<50x4x128x8x128xf32, #tpu.memory_space<hbm>> -> memref<1x1x4x8x128xf32, #tpu.memory_space<hbm>>
      %dma_wait3A_835 = tpu.memref_squeeze %dma_wait3A_834 : memref<1x1x4x8x128xf32, #tpu.memory_space<hbm>> -> memref<4x8x128xf32, #tpu.memory_space<hbm>>
      %dma_wait3A_836 = arith.constant 0 : i32
      %dma_wait3A_837 = arith.constant 0 : i32
      %dma_wait3A_838 = arith.constant 0 : i32
      %dma_wait3A_839 = tpu.memref_slice %arg4[%dma_wait3A_824, %dma_wait3A_825, %dma_wait3A_836, %dma_wait3A_837, %dma_wait3A_838] : memref<50x4x128x8x128xf32, #tpu.memory_space<hbm>> -> memref<1x1x4x8x128xf32, #tpu.memory_space<hbm>>
      %dma_wait3A_840 = tpu.memref_squeeze %dma_wait3A_839 : memref<1x1x4x8x128xf32, #tpu.memory_space<hbm>> -> memref<4x8x128xf32, #tpu.memory_space<hbm>>
      %dma_wait3A_841 = arith.constant 0 : i32
      %dma_wait3A_842 = arith.constant 0 : i32
      %dma_wait3A_843 = arith.constant 0 : i32
      %dma_wait3A_844 = tpu.memref_slice %arg10[%dma_wait3A_823, %dma_wait3A_841, %dma_wait3A_842, %dma_wait3A_843] : memref<4x4x8x129xf32, #tpu.memory_space<vmem>> -> memref<1x4x8x128xf32, #tpu.memory_space<vmem>>
      %dma_wait3A_845 = tpu.memref_squeeze %dma_wait3A_844 : memref<1x4x8x128xf32, #tpu.memory_space<vmem>> -> memref<4x8x128xf32, #tpu.memory_space<vmem>>
      tpu.wait_dma2 semaphore(%arg13 : memref<!tpu.dma_semaphore, #tpu.memory_space<semaphore_mem>>) src(%dma_wait3A_845 : memref<4x8x128xf32, #tpu.memory_space<vmem>>) dst(%dma_wait3A_840 : memref<4x8x128xf32, #tpu.memory_space<hbm>>)
      %parallel_loop3A_846 = arith.constant 0 : i32
      %parallel_loop3A_847 = arith.constant 512 : i32
      %parallel_loop3A_848 = arith.constant 1 : i32
      scf.for %parallel_loop3A_972 = %parallel_loop3A_846 to %parallel_loop3A_847 step %parallel_loop3A_848  : i32 {
        %parallel_loop3A_973 = arith.constant 128 : i32
        %parallel_loop3A_974 = arith.divsi %parallel_loop3A_972, %parallel_loop3A_973 : i32
        %parallel_loop3A_975 = arith.constant 0 : i32
        %parallel_loop3A_976 = arith.cmpi sgt, %parallel_loop3A_972, %parallel_loop3A_975 : i32
        %parallel_loop3A_977 = arith.extui %parallel_loop3A_976 : i1 to i32
        %parallel_loop3A_978 = arith.constant 0 : i32
        %parallel_loop3A_979 = arith.cmpi slt, %parallel_loop3A_972, %parallel_loop3A_978 : i32
        %parallel_loop3A_980 = arith.extui %parallel_loop3A_979 : i1 to i32
        %parallel_loop3A_981 = arith.subi %parallel_loop3A_977, %parallel_loop3A_980 : i32
        %parallel_loop3A_982 = arith.constant 0 : i32
        %parallel_loop3A_983 = arith.cmpi sgt, %parallel_loop3A_973, %parallel_loop3A_982 : i32
        %parallel_loop3A_984 = arith.extui %parallel_loop3A_983 : i1 to i32
        %parallel_loop3A_985 = arith.constant 0 : i32
        %parallel_loop3A_986 = arith.cmpi slt, %parallel_loop3A_973, %parallel_loop3A_985 : i32
        %parallel_loop3A_987 = arith.extui %parallel_loop3A_986 : i1 to i32
        %parallel_loop3A_988 = arith.subi %parallel_loop3A_984, %parallel_loop3A_987 : i32
        %parallel_loop3A_989 = arith.cmpi ne, %parallel_loop3A_981, %parallel_loop3A_988 : i32
        %parallel_loop3A_990 = arith.remsi %parallel_loop3A_972, %parallel_loop3A_973 : i32
        %parallel_loop3A_991 = arith.constant 0 : i32
        %parallel_loop3A_992 = arith.cmpi ne, %parallel_loop3A_990, %parallel_loop3A_991 : i32
        %parallel_loop3A_993 = arith.andi %parallel_loop3A_989, %parallel_loop3A_992 : i1
        %parallel_loop3A_994 = arith.constant 1 : i32
        %parallel_loop3A_995 = arith.subi %parallel_loop3A_974, %parallel_loop3A_994 : i32
        %parallel_loop3A_996 = arith.select %parallel_loop3A_993, %parallel_loop3A_995, %parallel_loop3A_974 : i32
        %parallel_loop3A_997 = vector.broadcast %parallel_loop3A_996 : i32 to vector<16xi32>
        %parallel_loop3A_998 = arith.constant 128 : i32
        %parallel_loop3A_999 = arith.constant 0 : i32
        %parallel_loop3A_1000 = arith.cmpi eq, %parallel_loop3A_998, %parallel_loop3A_999 : i32
        %parallel_loop3A_1001 = arith.constant 1 : i32
        %parallel_loop3A_1002 = arith.select %parallel_loop3A_1000, %parallel_loop3A_1001, %parallel_loop3A_998 : i32
        %parallel_loop3A_1003 = arith.remsi %parallel_loop3A_972, %parallel_loop3A_1002 : i32
        %parallel_loop3A_1004 = arith.constant 0 : i32
        %parallel_loop3A_1005 = arith.cmpi ne, %parallel_loop3A_1003, %parallel_loop3A_1004 : i32
        %parallel_loop3A_1006 = arith.constant 0 : i32
        %parallel_loop3A_1007 = arith.cmpi slt, %parallel_loop3A_1003, %parallel_loop3A_1006 : i32
        %parallel_loop3A_1008 = arith.constant 0 : i32
        %parallel_loop3A_1009 = arith.cmpi slt, %parallel_loop3A_1002, %parallel_loop3A_1008 : i32
        %parallel_loop3A_1010 = arith.xori %parallel_loop3A_1007, %parallel_loop3A_1009 : i1
        %parallel_loop3A_1011 = arith.andi %parallel_loop3A_1010, %parallel_loop3A_1005 : i1
        %parallel_loop3A_1012 = arith.addi %parallel_loop3A_1003, %parallel_loop3A_1002 : i32
        %parallel_loop3A_1013 = arith.select %parallel_loop3A_1011, %parallel_loop3A_1012, %parallel_loop3A_1003 : i32
        %parallel_loop3A_1014 = vector.broadcast %parallel_loop3A_1013 : i32 to vector<16xi32>
        %parallel_loop3A_1015 = arith.index_cast %parallel_loop3A_972 : i32 to index
        %parallel_loop3A_1016 = arith.constant 0 : index
        %parallel_loop3A_1017 = tpu.vector_load %arg7[%parallel_loop3A_1015, %parallel_loop3A_1016] {strides = array<i32>} : memref<512x32xf32, #tpu.memory_space<vmem>>, vector<16xf32>,
        tpu.vector_store_idx %arg9[%select_n3A, %parallel_loop3A_997, %select_n3A_48, %parallel_loop3A_1014], %parallel_loop3A_1017 : memref<4x4x8x129xf32, #tpu.memory_space<vmem>>[vector<16xi32>, vector<16xi32>, vector<16xi32>, vector<16xi32>], vector<16xf32>,
        %parallel_loop3A_1018 = arith.index_cast %parallel_loop3A_972 : i32 to index
        %parallel_loop3A_1019 = arith.constant 16 : index
        %parallel_loop3A_1020 = tpu.vector_load %arg7[%parallel_loop3A_1018, %parallel_loop3A_1019] {strides = array<i32>} : memref<512x32xf32, #tpu.memory_space<vmem>>, vector<16xf32>,
        tpu.vector_store_idx %arg9[%add3A_28, %parallel_loop3A_997, %select_n3A_48, %parallel_loop3A_1014], %parallel_loop3A_1020 : memref<4x4x8x129xf32, #tpu.memory_space<vmem>>[vector<16xi32>, vector<16xi32>, vector<16xi32>, vector<16xi32>], vector<16xf32>,
      } {sc.loop_unroll_factor = 8 : i64, sc.parallel_access}
      %barrier3A_849 = arith.constant 0 : index
      tpu.barrier barrier_id(%barrier3A_849)
      %jit3A_850 = arith.constant 32 : i32
      %div3A_851 = arith.divsi %add3A_743, %jit3A_850 : i32
      %sign3A_852 = arith.constant 0 : i32
      %sign3A_853 = arith.cmpi sgt, %add3A_743, %sign3A_852 : i32
      %sign3A_854 = arith.extui %sign3A_853 : i1 to i32
      %sign3A_855 = arith.constant 0 : i32
      %sign3A_856 = arith.cmpi slt, %add3A_743, %sign3A_855 : i32
      %sign3A_857 = arith.extui %sign3A_856 : i1 to i32
      %sign3A_858 = arith.subi %sign3A_854, %sign3A_857 : i32
      %sign3A_859 = arith.constant 0 : i32
      %sign3A_860 = arith.cmpi sgt, %jit3A_850, %sign3A_859 : i32
      %sign3A_861 = arith.extui %sign3A_860 : i1 to i32
      %sign3A_862 = arith.constant 0 : i32
      %sign3A_863 = arith.cmpi slt, %jit3A_850, %sign3A_862 : i32
      %sign3A_864 = arith.extui %sign3A_863 : i1 to i32
      %sign3A_865 = arith.subi %sign3A_861, %sign3A_864 : i32
      %ne3A_866 = arith.cmpi ne, %sign3A_858, %sign3A_865 : i32
      %rem3A_867 = arith.remsi %add3A_743, %jit3A_850 : i32
      %ne3A_868 = arith.constant 0 : i32
      %ne3A_869 = arith.cmpi ne, %rem3A_867, %ne3A_868 : i32
      %and3A_870 = arith.andi %ne3A_866, %ne3A_869 : i1
      %sub3A_871 = arith.constant 1 : i32
      %sub3A_872 = arith.subi %div3A_851, %sub3A_871 : i32
      %select_n3A_873 = arith.select %and3A_870, %sub3A_872, %div3A_851 : i32
      %jit3A_874 = arith.constant 32 : i32
      %eq3A_875 = arith.constant 0 : i32
      %eq3A_876 = arith.cmpi eq, %jit3A_874, %eq3A_875 : i32
      %jit3A_877 = arith.constant 1 : i32
      %select_n3A_878 = arith.select %eq3A_876, %jit3A_877, %jit3A_874 : i32
      %rem3A_879 = arith.remsi %add3A_743, %select_n3A_878 : i32
      %ne3A_880 = arith.constant 0 : i32
      %ne3A_881 = arith.cmpi ne, %rem3A_879, %ne3A_880 : i32
      %lt3A_882 = arith.constant 0 : i32
      %lt3A_883 = arith.cmpi slt, %rem3A_879, %lt3A_882 : i32
      %lt3A_884 = arith.constant 0 : i32
      %lt3A_885 = arith.cmpi slt, %select_n3A_878, %lt3A_884 : i32
      %ne3A_886 = arith.xori %lt3A_883, %lt3A_885 : i1
      %and3A_887 = arith.andi %ne3A_886, %ne3A_881 : i1
      %add3A_888 = arith.addi %rem3A_879, %select_n3A_878 : i32
      %select_n3A_889 = arith.select %and3A_887, %add3A_888, %rem3A_879 : i32
      %mul3A_890 = arith.constant 4 : i32
      %mul3A_891 = arith.muli %select_n3A_889, %mul3A_890 : i32
      %dma_start3A_892 = arith.constant 0 : i32
      %dma_start3A_893 = arith.constant 0 : i32
      %dma_start3A_894 = arith.constant 0 : i32
      %dma_start3A_895 = arith.constant 0 : i32
      %dma_start3A_896 = arith.constant 0 : i32
      %dma_start3A_897 = tpu.memref_slice %arg9[%dma_start3A_892, %dma_start3A_894, %dma_start3A_895, %dma_start3A_896] : memref<4x4x8x129xf32, #tpu.memory_space<vmem>> -> memref<1x4x8x128xf32, #tpu.memory_space<vmem>>
      %dma_start3A_898 = tpu.memref_squeeze %dma_start3A_897 : memref<1x4x8x128xf32, #tpu.memory_space<vmem>> -> memref<4x8x128xf32, #tpu.memory_space<vmem>>
      %dma_start3A_899 = arith.constant 0 : i32
      %dma_start3A_900 = arith.constant 0 : i32
      %dma_start3A_901 = tpu.memref_slice %arg4[%select_n3A_873, %dma_start3A_893, %mul3A_891, %dma_start3A_899, %dma_start3A_900] : memref<50x4x128x8x128xf32, #tpu.memory_space<hbm>> -> memref<1x1x4x8x128xf32, #tpu.memory_space<hbm>>
      %dma_start3A_902 = tpu.memref_squeeze %dma_start3A_901 : memref<1x1x4x8x128xf32, #tpu.memory_space<hbm>> -> memref<4x8x128xf32, #tpu.memory_space<hbm>>
      %dma_start3A_903 = arith.constant 0 : i32
      %dma_start3A_904 = arith.constant 0 : i32
      %dma_start3A_905 = tpu.memref_slice %arg4[%select_n3A_873, %dma_start3A_893, %mul3A_891, %dma_start3A_903, %dma_start3A_904] : memref<50x4x128x8x128xf32, #tpu.memory_space<hbm>> -> memref<1x1x4x8x128xf32, #tpu.memory_space<hbm>>
      %dma_start3A_906 = tpu.memref_squeeze %dma_start3A_905 : memref<1x1x4x8x128xf32, #tpu.memory_space<hbm>> -> memref<4x8x128xf32, #tpu.memory_space<hbm>>
      %dma_start3A_907 = arith.constant 0 : i32
      %dma_start3A_908 = arith.constant 0 : i32
      %dma_start3A_909 = arith.constant 0 : i32
      %dma_start3A_910 = tpu.memref_slice %arg9[%dma_start3A_892, %dma_start3A_907, %dma_start3A_908, %dma_start3A_909] : memref<4x4x8x129xf32, #tpu.memory_space<vmem>> -> memref<1x4x8x128xf32, #tpu.memory_space<vmem>>
      %dma_start3A_911 = tpu.memref_squeeze %dma_start3A_910 : memref<1x4x8x128xf32, #tpu.memory_space<vmem>> -> memref<4x8x128xf32, #tpu.memory_space<vmem>>
      tpu.enqueue_dma source(%dma_start3A_911 : memref<4x8x128xf32, #tpu.memory_space<vmem>>) target(%dma_start3A_906 : memref<4x8x128xf32, #tpu.memory_space<hbm>>) target_semaphore(%arg13 : memref<!tpu.dma_semaphore, #tpu.memory_space<semaphore_mem>>)
      %dma_start3A_912 = arith.constant 1 : i32
      %dma_start3A_913 = arith.constant 1 : i32
      %dma_start3A_914 = arith.constant 0 : i32
      %dma_start3A_915 = arith.constant 0 : i32
      %dma_start3A_916 = arith.constant 0 : i32
      %dma_start3A_917 = tpu.memref_slice %arg9[%dma_start3A_912, %dma_start3A_914, %dma_start3A_915, %dma_start3A_916] : memref<4x4x8x129xf32, #tpu.memory_space<vmem>> -> memref<1x4x8x128xf32, #tpu.memory_space<vmem>>
      %dma_start3A_918 = tpu.memref_squeeze %dma_start3A_917 : memref<1x4x8x128xf32, #tpu.memory_space<vmem>> -> memref<4x8x128xf32, #tpu.memory_space<vmem>>
      %dma_start3A_919 = arith.constant 0 : i32
      %dma_start3A_920 = arith.constant 0 : i32
      %dma_start3A_921 = tpu.memref_slice %arg4[%select_n3A_873, %dma_start3A_913, %mul3A_891, %dma_start3A_919, %dma_start3A_920] : memref<50x4x128x8x128xf32, #tpu.memory_space<hbm>> -> memref<1x1x4x8x128xf32, #tpu.memory_space<hbm>>
      %dma_start3A_922 = tpu.memref_squeeze %dma_start3A_921 : memref<1x1x4x8x128xf32, #tpu.memory_space<hbm>> -> memref<4x8x128xf32, #tpu.memory_space<hbm>>
      %dma_start3A_923 = arith.constant 0 : i32
      %dma_start3A_924 = arith.constant 0 : i32
      %dma_start3A_925 = tpu.memref_slice %arg4[%select_n3A_873, %dma_start3A_913, %mul3A_891, %dma_start3A_923, %dma_start3A_924] : memref<50x4x128x8x128xf32, #tpu.memory_space<hbm>> -> memref<1x1x4x8x128xf32, #tpu.memory_space<hbm>>
      %dma_start3A_926 = tpu.memref_squeeze %dma_start3A_925 : memref<1x1x4x8x128xf32, #tpu.memory_space<hbm>> -> memref<4x8x128xf32, #tpu.memory_space<hbm>>
      %dma_start3A_927 = arith.constant 0 : i32
      %dma_start3A_928 = arith.constant 0 : i32
      %dma_start3A_929 = arith.constant 0 : i32
      %dma_start3A_930 = tpu.memref_slice %arg9[%dma_start3A_912, %dma_start3A_927, %dma_start3A_928, %dma_start3A_929] : memref<4x4x8x129xf32, #tpu.memory_space<vmem>> -> memref<1x4x8x128xf32, #tpu.memory_space<vmem>>
      %dma_start3A_931 = tpu.memref_squeeze %dma_start3A_930 : memref<1x4x8x128xf32, #tpu.memory_space<vmem>> -> memref<4x8x128xf32, #tpu.memory_space<vmem>>
      tpu.enqueue_dma source(%dma_start3A_931 : memref<4x8x128xf32, #tpu.memory_space<vmem>>) target(%dma_start3A_926 : memref<4x8x128xf32, #tpu.memory_space<hbm>>) target_semaphore(%arg13 : memref<!tpu.dma_semaphore, #tpu.memory_space<semaphore_mem>>)
      %dma_start3A_932 = arith.constant 2 : i32
      %dma_start3A_933 = arith.constant 2 : i32
      %dma_start3A_934 = arith.constant 0 : i32
      %dma_start3A_935 = arith.constant 0 : i32
      %dma_start3A_936 = arith.constant 0 : i32
      %dma_start3A_937 = tpu.memref_slice %arg9[%dma_start3A_932, %dma_start3A_934, %dma_start3A_935, %dma_start3A_936] : memref<4x4x8x129xf32, #tpu.memory_space<vmem>> -> memref<1x4x8x128xf32, #tpu.memory_space<vmem>>
      %dma_start3A_938 = tpu.memref_squeeze %dma_start3A_937 : memref<1x4x8x128xf32, #tpu.memory_space<vmem>> -> memref<4x8x128xf32, #tpu.memory_space<vmem>>
      %dma_start3A_939 = arith.constant 0 : i32
      %dma_start3A_940 = arith.constant 0 : i32
      %dma_start3A_941 = tpu.memref_slice %arg4[%select_n3A_873, %dma_start3A_933, %mul3A_891, %dma_start3A_939, %dma_start3A_940] : memref<50x4x128x8x128xf32, #tpu.memory_space<hbm>> -> memref<1x1x4x8x128xf32, #tpu.memory_space<hbm>>
      %dma_start3A_942 = tpu.memref_squeeze %dma_start3A_941 : memref<1x1x4x8x128xf32, #tpu.memory_space<hbm>> -> memref<4x8x128xf32, #tpu.memory_space<hbm>>
      %dma_start3A_943 = arith.constant 0 : i32
      %dma_start3A_944 = arith.constant 0 : i32
      %dma_start3A_945 = tpu.memref_slice %arg4[%select_n3A_873, %dma_start3A_933, %mul3A_891, %dma_start3A_943, %dma_start3A_944] : memref<50x4x128x8x128xf32, #tpu.memory_space<hbm>> -> memref<1x1x4x8x128xf32, #tpu.memory_space<hbm>>
      %dma_start3A_946 = tpu.memref_squeeze %dma_start3A_945 : memref<1x1x4x8x128xf32, #tpu.memory_space<hbm>> -> memref<4x8x128xf32, #tpu.memory_space<hbm>>
      %dma_start3A_947 = arith.constant 0 : i32
      %dma_start3A_948 = arith.constant 0 : i32
      %dma_start3A_949 = arith.constant 0 : i32
      %dma_start3A_950 = tpu.memref_slice %arg9[%dma_start3A_932, %dma_start3A_947, %dma_start3A_948, %dma_start3A_949] : memref<4x4x8x129xf32, #tpu.memory_space<vmem>> -> memref<1x4x8x128xf32, #tpu.memory_space<vmem>>
      %dma_start3A_951 = tpu.memref_squeeze %dma_start3A_950 : memref<1x4x8x128xf32, #tpu.memory_space<vmem>> -> memref<4x8x128xf32, #tpu.memory_space<vmem>>
      tpu.enqueue_dma source(%dma_start3A_951 : memref<4x8x128xf32, #tpu.memory_space<vmem>>) target(%dma_start3A_946 : memref<4x8x128xf32, #tpu.memory_space<hbm>>) target_semaphore(%arg13 : memref<!tpu.dma_semaphore, #tpu.memory_space<semaphore_mem>>)
      %dma_start3A_952 = arith.constant 3 : i32
      %dma_start3A_953 = arith.constant 3 : i32
      %dma_start3A_954 = arith.constant 0 : i32
      %dma_start3A_955 = arith.constant 0 : i32
      %dma_start3A_956 = arith.constant 0 : i32
      %dma_start3A_957 = tpu.memref_slice %arg9[%dma_start3A_952, %dma_start3A_954, %dma_start3A_955, %dma_start3A_956] : memref<4x4x8x129xf32, #tpu.memory_space<vmem>> -> memref<1x4x8x128xf32, #tpu.memory_space<vmem>>
      %dma_start3A_958 = tpu.memref_squeeze %dma_start3A_957 : memref<1x4x8x128xf32, #tpu.memory_space<vmem>> -> memref<4x8x128xf32, #tpu.memory_space<vmem>>
      %dma_start3A_959 = arith.constant 0 : i32
      %dma_start3A_960 = arith.constant 0 : i32
      %dma_start3A_961 = tpu.memref_slice %arg4[%select_n3A_873, %dma_start3A_953, %mul3A_891, %dma_start3A_959, %dma_start3A_960] : memref<50x4x128x8x128xf32, #tpu.memory_space<hbm>> -> memref<1x1x4x8x128xf32, #tpu.memory_space<hbm>>
      %dma_start3A_962 = tpu.memref_squeeze %dma_start3A_961 : memref<1x1x4x8x128xf32, #tpu.memory_space<hbm>> -> memref<4x8x128xf32, #tpu.memory_space<hbm>>
      %dma_start3A_963 = arith.constant 0 : i32
      %dma_start3A_964 = arith.constant 0 : i32
      %dma_start3A_965 = tpu.memref_slice %arg4[%select_n3A_873, %dma_start3A_953, %mul3A_891, %dma_start3A_963, %dma_start3A_964] : memref<50x4x128x8x128xf32, #tpu.memory_space<hbm>> -> memref<1x1x4x8x128xf32, #tpu.memory_space<hbm>>
      %dma_start3A_966 = tpu.memref_squeeze %dma_start3A_965 : memref<1x1x4x8x128xf32, #tpu.memory_space<hbm>> -> memref<4x8x128xf32, #tpu.memory_space<hbm>>
      %dma_start3A_967 = arith.constant 0 : i32
      %dma_start3A_968 = arith.constant 0 : i32
      %dma_start3A_969 = arith.constant 0 : i32
      %dma_start3A_970 = tpu.memref_slice %arg9[%dma_start3A_952, %dma_start3A_967, %dma_start3A_968, %dma_start3A_969] : memref<4x4x8x129xf32, #tpu.memory_space<vmem>> -> memref<1x4x8x128xf32, #tpu.memory_space<vmem>>
      %dma_start3A_971 = tpu.memref_squeeze %dma_start3A_970 : memref<1x4x8x128xf32, #tpu.memory_space<vmem>> -> memref<4x8x128xf32, #tpu.memory_space<vmem>>
      tpu.enqueue_dma source(%dma_start3A_971 : memref<4x8x128xf32, #tpu.memory_space<vmem>>) target(%dma_start3A_966 : memref<4x8x128xf32, #tpu.memory_space<hbm>>) target_semaphore(%arg13 : memref<!tpu.dma_semaphore, #tpu.memory_space<semaphore_mem>>)
    }
    %scan3A_190 = arith.constant 24 : i32
    %add3A_191 = arith.constant 50 : i32
    %add3A_192 = arith.addi %mul3A_2, %add3A_191 : i32
    %sub3A_193 = arith.constant 1 : i32
    %sub3A_194 = arith.subi %add3A_192, %sub3A_193 : i32
    %dma_wait3A_195 = arith.constant 0 : i32
    %dma_wait3A_196 = arith.constant 0 : i32
    %dma_wait3A_197 = tpu.memref_slice %arg3[%dma_wait3A_195, %dma_wait3A_196] : memref<4000000x32xf32, #tpu.memory_space<hbm>> -> memref<4000000x32xf32, #tpu.memory_space<hbm>>
    tpu.wait_indirect_dma semaphore(%arg12 : memref<!tpu.dma_semaphore, #tpu.memory_space<semaphore_mem>>) src(%dma_wait3A_197 : memref<4000000x32xf32, #tpu.memory_space<hbm>>) dst(%arg8 : memref<512x32xf32, #tpu.memory_space<vmem>>)
    %dma_wait3A_198 = arith.constant 0 : i32
    %dma_wait3A_199 = arith.constant 0 : i32
    %dma_wait3A_200 = arith.constant 0 : i32
    %dma_wait3A_201 = arith.constant 0 : i32
    %dma_wait3A_202 = arith.constant 0 : i32
    %dma_wait3A_203 = arith.constant 0 : i32
    %dma_wait3A_204 = tpu.memref_slice %arg9[%dma_wait3A_198, %dma_wait3A_201, %dma_wait3A_202, %dma_wait3A_203] : memref<4x4x8x129xf32, #tpu.memory_space<vmem>> -> memref<1x4x8x128xf32, #tpu.memory_space<vmem>>
    %dma_wait3A_205 = tpu.memref_squeeze %dma_wait3A_204 : memref<1x4x8x128xf32, #tpu.memory_space<vmem>> -> memref<4x8x128xf32, #tpu.memory_space<vmem>>
    %dma_wait3A_206 = arith.constant 0 : i32
    %dma_wait3A_207 = arith.constant 0 : i32
    %dma_wait3A_208 = arith.constant 0 : i32
    %dma_wait3A_209 = tpu.memref_slice %arg4[%dma_wait3A_199, %dma_wait3A_200, %dma_wait3A_206, %dma_wait3A_207, %dma_wait3A_208] : memref<50x4x128x8x128xf32, #tpu.memory_space<hbm>> -> memref<1x1x4x8x128xf32, #tpu.memory_space<hbm>>
    %dma_wait3A_210 = tpu.memref_squeeze %dma_wait3A_209 : memref<1x1x4x8x128xf32, #tpu.memory_space<hbm>> -> memref<4x8x128xf32, #tpu.memory_space<hbm>>
    %dma_wait3A_211 = arith.constant 0 : i32
    %dma_wait3A_212 = arith.constant 0 : i32
    %dma_wait3A_213 = arith.constant 0 : i32
    %dma_wait3A_214 = tpu.memref_slice %arg4[%dma_wait3A_199, %dma_wait3A_200, %dma_wait3A_211, %dma_wait3A_212, %dma_wait3A_213] : memref<50x4x128x8x128xf32, #tpu.memory_space<hbm>> -> memref<1x1x4x8x128xf32, #tpu.memory_space<hbm>>
    %dma_wait3A_215 = tpu.memref_squeeze %dma_wait3A_214 : memref<1x1x4x8x128xf32, #tpu.memory_space<hbm>> -> memref<4x8x128xf32, #tpu.memory_space<hbm>>
    %dma_wait3A_216 = arith.constant 0 : i32
    %dma_wait3A_217 = arith.constant 0 : i32
    %dma_wait3A_218 = arith.constant 0 : i32
    %dma_wait3A_219 = tpu.memref_slice %arg9[%dma_wait3A_198, %dma_wait3A_216, %dma_wait3A_217, %dma_wait3A_218] : memref<4x4x8x129xf32, #tpu.memory_space<vmem>> -> memref<1x4x8x128xf32, #tpu.memory_space<vmem>>
    %dma_wait3A_220 = tpu.memref_squeeze %dma_wait3A_219 : memref<1x4x8x128xf32, #tpu.memory_space<vmem>> -> memref<4x8x128xf32, #tpu.memory_space<vmem>>
    tpu.wait_dma2 semaphore(%arg13 : memref<!tpu.dma_semaphore, #tpu.memory_space<semaphore_mem>>) src(%dma_wait3A_220 : memref<4x8x128xf32, #tpu.memory_space<vmem>>) dst(%dma_wait3A_215 : memref<4x8x128xf32, #tpu.memory_space<hbm>>)
    %dma_wait3A_221 = arith.constant 1 : i32
    %dma_wait3A_222 = arith.constant 0 : i32
    %dma_wait3A_223 = arith.constant 1 : i32
    %dma_wait3A_224 = arith.constant 0 : i32
    %dma_wait3A_225 = arith.constant 0 : i32
    %dma_wait3A_226 = arith.constant 0 : i32
    %dma_wait3A_227 = tpu.memref_slice %arg9[%dma_wait3A_221, %dma_wait3A_224, %dma_wait3A_225, %dma_wait3A_226] : memref<4x4x8x129xf32, #tpu.memory_space<vmem>> -> memref<1x4x8x128xf32, #tpu.memory_space<vmem>>
    %dma_wait3A_228 = tpu.memref_squeeze %dma_wait3A_227 : memref<1x4x8x128xf32, #tpu.memory_space<vmem>> -> memref<4x8x128xf32, #tpu.memory_space<vmem>>
    %dma_wait3A_229 = arith.constant 0 : i32
    %dma_wait3A_230 = arith.constant 0 : i32
    %dma_wait3A_231 = arith.constant 0 : i32
    %dma_wait3A_232 = tpu.memref_slice %arg4[%dma_wait3A_222, %dma_wait3A_223, %dma_wait3A_229, %dma_wait3A_230, %dma_wait3A_231] : memref<50x4x128x8x128xf32, #tpu.memory_space<hbm>> -> memref<1x1x4x8x128xf32, #tpu.memory_space<hbm>>
    %dma_wait3A_233 = tpu.memref_squeeze %dma_wait3A_232 : memref<1x1x4x8x128xf32, #tpu.memory_space<hbm>> -> memref<4x8x128xf32, #tpu.memory_space<hbm>>
    %dma_wait3A_234 = arith.constant 0 : i32
    %dma_wait3A_235 = arith.constant 0 : i32
    %dma_wait3A_236 = arith.constant 0 : i32
    %dma_wait3A_237 = tpu.memref_slice %arg4[%dma_wait3A_222, %dma_wait3A_223, %dma_wait3A_234, %dma_wait3A_235, %dma_wait3A_236] : memref<50x4x128x8x128xf32, #tpu.memory_space<hbm>> -> memref<1x1x4x8x128xf32, #tpu.memory_space<hbm>>
    %dma_wait3A_238 = tpu.memref_squeeze %dma_wait3A_237 : memref<1x1x4x8x128xf32, #tpu.memory_space<hbm>> -> memref<4x8x128xf32, #tpu.memory_space<hbm>>
    %dma_wait3A_239 = arith.constant 0 : i32
    %dma_wait3A_240 = arith.constant 0 : i32
    %dma_wait3A_241 = arith.constant 0 : i32
    %dma_wait3A_242 = tpu.memref_slice %arg9[%dma_wait3A_221, %dma_wait3A_239, %dma_wait3A_240, %dma_wait3A_241] : memref<4x4x8x129xf32, #tpu.memory_space<vmem>> -> memref<1x4x8x128xf32, #tpu.memory_space<vmem>>
    %dma_wait3A_243 = tpu.memref_squeeze %dma_wait3A_242 : memref<1x4x8x128xf32, #tpu.memory_space<vmem>> -> memref<4x8x128xf32, #tpu.memory_space<vmem>>
    tpu.wait_dma2 semaphore(%arg13 : memref<!tpu.dma_semaphore, #tpu.memory_space<semaphore_mem>>) src(%dma_wait3A_243 : memref<4x8x128xf32, #tpu.memory_space<vmem>>) dst(%dma_wait3A_238 : memref<4x8x128xf32, #tpu.memory_space<hbm>>)
    %dma_wait3A_244 = arith.constant 2 : i32
    %dma_wait3A_245 = arith.constant 0 : i32
    %dma_wait3A_246 = arith.constant 2 : i32
    %dma_wait3A_247 = arith.constant 0 : i32
    %dma_wait3A_248 = arith.constant 0 : i32
    %dma_wait3A_249 = arith.constant 0 : i32
    %dma_wait3A_250 = tpu.memref_slice %arg9[%dma_wait3A_244, %dma_wait3A_247, %dma_wait3A_248, %dma_wait3A_249] : memref<4x4x8x129xf32, #tpu.memory_space<vmem>> -> memref<1x4x8x128xf32, #tpu.memory_space<vmem>>
    %dma_wait3A_251 = tpu.memref_squeeze %dma_wait3A_250 : memref<1x4x8x128xf32, #tpu.memory_space<vmem>> -> memref<4x8x128xf32, #tpu.memory_space<vmem>>
    %dma_wait3A_252 = arith.constant 0 : i32
    %dma_wait3A_253 = arith.constant 0 : i32
    %dma_wait3A_254 = arith.constant 0 : i32
    %dma_wait3A_255 = tpu.memref_slice %arg4[%dma_wait3A_245, %dma_wait3A_246, %dma_wait3A_252, %dma_wait3A_253, %dma_wait3A_254] : memref<50x4x128x8x128xf32, #tpu.memory_space<hbm>> -> memref<1x1x4x8x128xf32, #tpu.memory_space<hbm>>
    %dma_wait3A_256 = tpu.memref_squeeze %dma_wait3A_255 : memref<1x1x4x8x128xf32, #tpu.memory_space<hbm>> -> memref<4x8x128xf32, #tpu.memory_space<hbm>>
    %dma_wait3A_257 = arith.constant 0 : i32
    %dma_wait3A_258 = arith.constant 0 : i32
    %dma_wait3A_259 = arith.constant 0 : i32
    %dma_wait3A_260 = tpu.memref_slice %arg4[%dma_wait3A_245, %dma_wait3A_246, %dma_wait3A_257, %dma_wait3A_258, %dma_wait3A_259] : memref<50x4x128x8x128xf32, #tpu.memory_space<hbm>> -> memref<1x1x4x8x128xf32, #tpu.memory_space<hbm>>
    %dma_wait3A_261 = tpu.memref_squeeze %dma_wait3A_260 : memref<1x1x4x8x128xf32, #tpu.memory_space<hbm>> -> memref<4x8x128xf32, #tpu.memory_space<hbm>>
    %dma_wait3A_262 = arith.constant 0 : i32
    %dma_wait3A_263 = arith.constant 0 : i32
    %dma_wait3A_264 = arith.constant 0 : i32
    %dma_wait3A_265 = tpu.memref_slice %arg9[%dma_wait3A_244, %dma_wait3A_262, %dma_wait3A_263, %dma_wait3A_264] : memref<4x4x8x129xf32, #tpu.memory_space<vmem>> -> memref<1x4x8x128xf32, #tpu.memory_space<vmem>>
    %dma_wait3A_266 = tpu.memref_squeeze %dma_wait3A_265 : memref<1x4x8x128xf32, #tpu.memory_space<vmem>> -> memref<4x8x128xf32, #tpu.memory_space<vmem>>
    tpu.wait_dma2 semaphore(%arg13 : memref<!tpu.dma_semaphore, #tpu.memory_space<semaphore_mem>>) src(%dma_wait3A_266 : memref<4x8x128xf32, #tpu.memory_space<vmem>>) dst(%dma_wait3A_261 : memref<4x8x128xf32, #tpu.memory_space<hbm>>)
    %dma_wait3A_267 = arith.constant 3 : i32
    %dma_wait3A_268 = arith.constant 0 : i32
    %dma_wait3A_269 = arith.constant 3 : i32
    %dma_wait3A_270 = arith.constant 0 : i32
    %dma_wait3A_271 = arith.constant 0 : i32
    %dma_wait3A_272 = arith.constant 0 : i32
    %dma_wait3A_273 = tpu.memref_slice %arg9[%dma_wait3A_267, %dma_wait3A_270, %dma_wait3A_271, %dma_wait3A_272] : memref<4x4x8x129xf32, #tpu.memory_space<vmem>> -> memref<1x4x8x128xf32, #tpu.memory_space<vmem>>
    %dma_wait3A_274 = tpu.memref_squeeze %dma_wait3A_273 : memref<1x4x8x128xf32, #tpu.memory_space<vmem>> -> memref<4x8x128xf32, #tpu.memory_space<vmem>>
    %dma_wait3A_275 = arith.constant 0 : i32
    %dma_wait3A_276 = arith.constant 0 : i32
    %dma_wait3A_277 = arith.constant 0 : i32
    %dma_wait3A_278 = tpu.memref_slice %arg4[%dma_wait3A_268, %dma_wait3A_269, %dma_wait3A_275, %dma_wait3A_276, %dma_wait3A_277] : memref<50x4x128x8x128xf32, #tpu.memory_space<hbm>> -> memref<1x1x4x8x128xf32, #tpu.memory_space<hbm>>
    %dma_wait3A_279 = tpu.memref_squeeze %dma_wait3A_278 : memref<1x1x4x8x128xf32, #tpu.memory_space<hbm>> -> memref<4x8x128xf32, #tpu.memory_space<hbm>>
    %dma_wait3A_280 = arith.constant 0 : i32
    %dma_wait3A_281 = arith.constant 0 : i32
    %dma_wait3A_282 = arith.constant 0 : i32
    %dma_wait3A_283 = tpu.memref_slice %arg4[%dma_wait3A_268, %dma_wait3A_269, %dma_wait3A_280, %dma_wait3A_281, %dma_wait3A_282] : memref<50x4x128x8x128xf32, #tpu.memory_space<hbm>> -> memref<1x1x4x8x128xf32, #tpu.memory_space<hbm>>
    %dma_wait3A_284 = tpu.memref_squeeze %dma_wait3A_283 : memref<1x1x4x8x128xf32, #tpu.memory_space<hbm>> -> memref<4x8x128xf32, #tpu.memory_space<hbm>>
    %dma_wait3A_285 = arith.constant 0 : i32
    %dma_wait3A_286 = arith.constant 0 : i32
    %dma_wait3A_287 = arith.constant 0 : i32
    %dma_wait3A_288 = tpu.memref_slice %arg9[%dma_wait3A_267, %dma_wait3A_285, %dma_wait3A_286, %dma_wait3A_287] : memref<4x4x8x129xf32, #tpu.memory_space<vmem>> -> memref<1x4x8x128xf32, #tpu.memory_space<vmem>>
    %dma_wait3A_289 = tpu.memref_squeeze %dma_wait3A_288 : memref<1x4x8x128xf32, #tpu.memory_space<vmem>> -> memref<4x8x128xf32, #tpu.memory_space<vmem>>
    tpu.wait_dma2 semaphore(%arg13 : memref<!tpu.dma_semaphore, #tpu.memory_space<semaphore_mem>>) src(%dma_wait3A_289 : memref<4x8x128xf32, #tpu.memory_space<vmem>>) dst(%dma_wait3A_284 : memref<4x8x128xf32, #tpu.memory_space<hbm>>)
    %parallel_loop3A_290 = arith.constant 0 : i32
    %parallel_loop3A_291 = arith.constant 512 : i32
    %parallel_loop3A_292 = arith.constant 1 : i32
    scf.for %parallel_loop3A_508 = %parallel_loop3A_290 to %parallel_loop3A_291 step %parallel_loop3A_292  : i32 {
      %parallel_loop3A_509 = arith.constant 128 : i32
      %parallel_loop3A_510 = arith.divsi %parallel_loop3A_508, %parallel_loop3A_509 : i32
      %parallel_loop3A_511 = arith.constant 0 : i32
      %parallel_loop3A_512 = arith.cmpi sgt, %parallel_loop3A_508, %parallel_loop3A_511 : i32
      %parallel_loop3A_513 = arith.extui %parallel_loop3A_512 : i1 to i32
      %parallel_loop3A_514 = arith.constant 0 : i32
      %parallel_loop3A_515 = arith.cmpi slt, %parallel_loop3A_508, %parallel_loop3A_514 : i32
      %parallel_loop3A_516 = arith.extui %parallel_loop3A_515 : i1 to i32
      %parallel_loop3A_517 = arith.subi %parallel_loop3A_513, %parallel_loop3A_516 : i32
      %parallel_loop3A_518 = arith.constant 0 : i32
      %parallel_loop3A_519 = arith.cmpi sgt, %parallel_loop3A_509, %parallel_loop3A_518 : i32
      %parallel_loop3A_520 = arith.extui %parallel_loop3A_519 : i1 to i32
      %parallel_loop3A_521 = arith.constant 0 : i32
      %parallel_loop3A_522 = arith.cmpi slt, %parallel_loop3A_509, %parallel_loop3A_521 : i32
      %parallel_loop3A_523 = arith.extui %parallel_loop3A_522 : i1 to i32
      %parallel_loop3A_524 = arith.subi %parallel_loop3A_520, %parallel_loop3A_523 : i32
      %parallel_loop3A_525 = arith.cmpi ne, %parallel_loop3A_517, %parallel_loop3A_524 : i32
      %parallel_loop3A_526 = arith.remsi %parallel_loop3A_508, %parallel_loop3A_509 : i32
      %parallel_loop3A_527 = arith.constant 0 : i32
      %parallel_loop3A_528 = arith.cmpi ne, %parallel_loop3A_526, %parallel_loop3A_527 : i32
      %parallel_loop3A_529 = arith.andi %parallel_loop3A_525, %parallel_loop3A_528 : i1
      %parallel_loop3A_530 = arith.constant 1 : i32
      %parallel_loop3A_531 = arith.subi %parallel_loop3A_510, %parallel_loop3A_530 : i32
      %parallel_loop3A_532 = arith.select %parallel_loop3A_529, %parallel_loop3A_531, %parallel_loop3A_510 : i32
      %parallel_loop3A_533 = vector.broadcast %parallel_loop3A_532 : i32 to vector<16xi32>
      %parallel_loop3A_534 = arith.constant 128 : i32
      %parallel_loop3A_535 = arith.constant 0 : i32
      %parallel_loop3A_536 = arith.cmpi eq, %parallel_loop3A_534, %parallel_loop3A_535 : i32
      %parallel_loop3A_537 = arith.constant 1 : i32
      %parallel_loop3A_538 = arith.select %parallel_loop3A_536, %parallel_loop3A_537, %parallel_loop3A_534 : i32
      %parallel_loop3A_539 = arith.remsi %parallel_loop3A_508, %parallel_loop3A_538 : i32
      %parallel_loop3A_540 = arith.constant 0 : i32
      %parallel_loop3A_541 = arith.cmpi ne, %parallel_loop3A_539, %parallel_loop3A_540 : i32
      %parallel_loop3A_542 = arith.constant 0 : i32
      %parallel_loop3A_543 = arith.cmpi slt, %parallel_loop3A_539, %parallel_loop3A_542 : i32
      %parallel_loop3A_544 = arith.constant 0 : i32
      %parallel_loop3A_545 = arith.cmpi slt, %parallel_loop3A_538, %parallel_loop3A_544 : i32
      %parallel_loop3A_546 = arith.xori %parallel_loop3A_543, %parallel_loop3A_545 : i1
      %parallel_loop3A_547 = arith.andi %parallel_loop3A_546, %parallel_loop3A_541 : i1
      %parallel_loop3A_548 = arith.addi %parallel_loop3A_539, %parallel_loop3A_538 : i32
      %parallel_loop3A_549 = arith.select %parallel_loop3A_547, %parallel_loop3A_548, %parallel_loop3A_539 : i32
      %parallel_loop3A_550 = vector.broadcast %parallel_loop3A_549 : i32 to vector<16xi32>
      %parallel_loop3A_551 = arith.index_cast %parallel_loop3A_508 : i32 to index
      %parallel_loop3A_552 = arith.constant 0 : index
      %parallel_loop3A_553 = tpu.vector_load %arg8[%parallel_loop3A_551, %parallel_loop3A_552] {strides = array<i32>} : memref<512x32xf32, #tpu.memory_space<vmem>>, vector<16xf32>,
      tpu.vector_store_idx %arg10[%select_n3A, %parallel_loop3A_533, %select_n3A_48, %parallel_loop3A_550], %parallel_loop3A_553 : memref<4x4x8x129xf32, #tpu.memory_space<vmem>>[vector<16xi32>, vector<16xi32>, vector<16xi32>, vector<16xi32>], vector<16xf32>,
      %parallel_loop3A_554 = arith.index_cast %parallel_loop3A_508 : i32 to index
      %parallel_loop3A_555 = arith.constant 16 : index
      %parallel_loop3A_556 = tpu.vector_load %arg8[%parallel_loop3A_554, %parallel_loop3A_555] {strides = array<i32>} : memref<512x32xf32, #tpu.memory_space<vmem>>, vector<16xf32>,
      tpu.vector_store_idx %arg10[%add3A_28, %parallel_loop3A_533, %select_n3A_48, %parallel_loop3A_550], %parallel_loop3A_556 : memref<4x4x8x129xf32, #tpu.memory_space<vmem>>[vector<16xi32>, vector<16xi32>, vector<16xi32>, vector<16xi32>], vector<16xf32>,
    } {sc.loop_unroll_factor = 8 : i64, sc.parallel_access}
    %barrier3A_293 = arith.constant 0 : index
    tpu.barrier barrier_id(%barrier3A_293)
    %jit3A_294 = arith.constant 32 : i32
    %div3A_295 = arith.divsi %sub3A_194, %jit3A_294 : i32
    %sign3A_296 = arith.constant 0 : i32
    %sign3A_297 = arith.cmpi sgt, %sub3A_194, %sign3A_296 : i32
    %sign3A_298 = arith.extui %sign3A_297 : i1 to i32
    %sign3A_299 = arith.constant 0 : i32
    %sign3A_300 = arith.cmpi slt, %sub3A_194, %sign3A_299 : i32
    %sign3A_301 = arith.extui %sign3A_300 : i1 to i32
    %sign3A_302 = arith.subi %sign3A_298, %sign3A_301 : i32
    %sign3A_303 = arith.constant 0 : i32
    %sign3A_304 = arith.cmpi sgt, %jit3A_294, %sign3A_303 : i32
    %sign3A_305 = arith.extui %sign3A_304 : i1 to i32
    %sign3A_306 = arith.constant 0 : i32
    %sign3A_307 = arith.cmpi slt, %jit3A_294, %sign3A_306 : i32
    %sign3A_308 = arith.extui %sign3A_307 : i1 to i32
    %sign3A_309 = arith.subi %sign3A_305, %sign3A_308 : i32
    %ne3A_310 = arith.cmpi ne, %sign3A_302, %sign3A_309 : i32
    %rem3A_311 = arith.remsi %sub3A_194, %jit3A_294 : i32
    %ne3A_312 = arith.constant 0 : i32
    %ne3A_313 = arith.cmpi ne, %rem3A_311, %ne3A_312 : i32
    %and3A_314 = arith.andi %ne3A_310, %ne3A_313 : i1
    %sub3A_315 = arith.constant 1 : i32
    %sub3A_316 = arith.subi %div3A_295, %sub3A_315 : i32
    %select_n3A_317 = arith.select %and3A_314, %sub3A_316, %div3A_295 : i32
    %jit3A_318 = arith.constant 32 : i32
    %eq3A_319 = arith.constant 0 : i32
    %eq3A_320 = arith.cmpi eq, %jit3A_318, %eq3A_319 : i32
    %jit3A_321 = arith.constant 1 : i32
    %select_n3A_322 = arith.select %eq3A_320, %jit3A_321, %jit3A_318 : i32
    %rem3A_323 = arith.remsi %sub3A_194, %select_n3A_322 : i32
    %ne3A_324 = arith.constant 0 : i32
    %ne3A_325 = arith.cmpi ne, %rem3A_323, %ne3A_324 : i32
    %lt3A_326 = arith.constant 0 : i32
    %lt3A_327 = arith.cmpi slt, %rem3A_323, %lt3A_326 : i32
    %lt3A_328 = arith.constant 0 : i32
    %lt3A_329 = arith.cmpi slt, %select_n3A_322, %lt3A_328 : i32
    %ne3A_330 = arith.xori %lt3A_327, %lt3A_329 : i1
    %and3A_331 = arith.andi %ne3A_330, %ne3A_325 : i1
    %add3A_332 = arith.addi %rem3A_323, %select_n3A_322 : i32
    %select_n3A_333 = arith.select %and3A_331, %add3A_332, %rem3A_323 : i32
    %mul3A_334 = arith.constant 4 : i32
    %mul3A_335 = arith.muli %select_n3A_333, %mul3A_334 : i32
    %dma_start3A_336 = arith.constant 0 : i32
    %dma_start3A_337 = arith.constant 0 : i32
    %dma_start3A_338 = arith.constant 0 : i32
    %dma_start3A_339 = arith.constant 0 : i32
    %dma_start3A_340 = arith.constant 0 : i32
    %dma_start3A_341 = tpu.memref_slice %arg10[%dma_start3A_336, %dma_start3A_338, %dma_start3A_339, %dma_start3A_340] : memref<4x4x8x129xf32, #tpu.memory_space<vmem>> -> memref<1x4x8x128xf32, #tpu.memory_space<vmem>>
    %dma_start3A_342 = tpu.memref_squeeze %dma_start3A_341 : memref<1x4x8x128xf32, #tpu.memory_space<vmem>> -> memref<4x8x128xf32, #tpu.memory_space<vmem>>
    %dma_start3A_343 = arith.constant 0 : i32
    %dma_start3A_344 = arith.constant 0 : i32
    %dma_start3A_345 = tpu.memref_slice %arg4[%select_n3A_317, %dma_start3A_337, %mul3A_335, %dma_start3A_343, %dma_start3A_344] : memref<50x4x128x8x128xf32, #tpu.memory_space<hbm>> -> memref<1x1x4x8x128xf32, #tpu.memory_space<hbm>>
    %dma_start3A_346 = tpu.memref_squeeze %dma_start3A_345 : memref<1x1x4x8x128xf32, #tpu.memory_space<hbm>> -> memref<4x8x128xf32, #tpu.memory_space<hbm>>
    %dma_start3A_347 = arith.constant 0 : i32
    %dma_start3A_348 = arith.constant 0 : i32
    %dma_start3A_349 = tpu.memref_slice %arg4[%select_n3A_317, %dma_start3A_337, %mul3A_335, %dma_start3A_347, %dma_start3A_348] : memref<50x4x128x8x128xf32, #tpu.memory_space<hbm>> -> memref<1x1x4x8x128xf32, #tpu.memory_space<hbm>>
    %dma_start3A_350 = tpu.memref_squeeze %dma_start3A_349 : memref<1x1x4x8x128xf32, #tpu.memory_space<hbm>> -> memref<4x8x128xf32, #tpu.memory_space<hbm>>
    %dma_start3A_351 = arith.constant 0 : i32
    %dma_start3A_352 = arith.constant 0 : i32
    %dma_start3A_353 = arith.constant 0 : i32
    %dma_start3A_354 = tpu.memref_slice %arg10[%dma_start3A_336, %dma_start3A_351, %dma_start3A_352, %dma_start3A_353] : memref<4x4x8x129xf32, #tpu.memory_space<vmem>> -> memref<1x4x8x128xf32, #tpu.memory_space<vmem>>
    %dma_start3A_355 = tpu.memref_squeeze %dma_start3A_354 : memref<1x4x8x128xf32, #tpu.memory_space<vmem>> -> memref<4x8x128xf32, #tpu.memory_space<vmem>>
    tpu.enqueue_dma source(%dma_start3A_355 : memref<4x8x128xf32, #tpu.memory_space<vmem>>) target(%dma_start3A_350 : memref<4x8x128xf32, #tpu.memory_space<hbm>>) target_semaphore(%arg13 : memref<!tpu.dma_semaphore, #tpu.memory_space<semaphore_mem>>)
    %dma_start3A_356 = arith.constant 1 : i32
    %dma_start3A_357 = arith.constant 1 : i32
    %dma_start3A_358 = arith.constant 0 : i32
    %dma_start3A_359 = arith.constant 0 : i32
    %dma_start3A_360 = arith.constant 0 : i32
    %dma_start3A_361 = tpu.memref_slice %arg10[%dma_start3A_356, %dma_start3A_358, %dma_start3A_359, %dma_start3A_360] : memref<4x4x8x129xf32, #tpu.memory_space<vmem>> -> memref<1x4x8x128xf32, #tpu.memory_space<vmem>>
    %dma_start3A_362 = tpu.memref_squeeze %dma_start3A_361 : memref<1x4x8x128xf32, #tpu.memory_space<vmem>> -> memref<4x8x128xf32, #tpu.memory_space<vmem>>
    %dma_start3A_363 = arith.constant 0 : i32
    %dma_start3A_364 = arith.constant 0 : i32
    %dma_start3A_365 = tpu.memref_slice %arg4[%select_n3A_317, %dma_start3A_357, %mul3A_335, %dma_start3A_363, %dma_start3A_364] : memref<50x4x128x8x128xf32, #tpu.memory_space<hbm>> -> memref<1x1x4x8x128xf32, #tpu.memory_space<hbm>>
    %dma_start3A_366 = tpu.memref_squeeze %dma_start3A_365 : memref<1x1x4x8x128xf32, #tpu.memory_space<hbm>> -> memref<4x8x128xf32, #tpu.memory_space<hbm>>
    %dma_start3A_367 = arith.constant 0 : i32
    %dma_start3A_368 = arith.constant 0 : i32
    %dma_start3A_369 = tpu.memref_slice %arg4[%select_n3A_317, %dma_start3A_357, %mul3A_335, %dma_start3A_367, %dma_start3A_368] : memref<50x4x128x8x128xf32, #tpu.memory_space<hbm>> -> memref<1x1x4x8x128xf32, #tpu.memory_space<hbm>>
    %dma_start3A_370 = tpu.memref_squeeze %dma_start3A_369 : memref<1x1x4x8x128xf32, #tpu.memory_space<hbm>> -> memref<4x8x128xf32, #tpu.memory_space<hbm>>
    %dma_start3A_371 = arith.constant 0 : i32
    %dma_start3A_372 = arith.constant 0 : i32
    %dma_start3A_373 = arith.constant 0 : i32
    %dma_start3A_374 = tpu.memref_slice %arg10[%dma_start3A_356, %dma_start3A_371, %dma_start3A_372, %dma_start3A_373] : memref<4x4x8x129xf32, #tpu.memory_space<vmem>> -> memref<1x4x8x128xf32, #tpu.memory_space<vmem>>
    %dma_start3A_375 = tpu.memref_squeeze %dma_start3A_374 : memref<1x4x8x128xf32, #tpu.memory_space<vmem>> -> memref<4x8x128xf32, #tpu.memory_space<vmem>>
    tpu.enqueue_dma source(%dma_start3A_375 : memref<4x8x128xf32, #tpu.memory_space<vmem>>) target(%dma_start3A_370 : memref<4x8x128xf32, #tpu.memory_space<hbm>>) target_semaphore(%arg13 : memref<!tpu.dma_semaphore, #tpu.memory_space<semaphore_mem>>)
    %dma_start3A_376 = arith.constant 2 : i32
    %dma_start3A_377 = arith.constant 2 : i32
    %dma_start3A_378 = arith.constant 0 : i32
    %dma_start3A_379 = arith.constant 0 : i32
    %dma_start3A_380 = arith.constant 0 : i32
    %dma_start3A_381 = tpu.memref_slice %arg10[%dma_start3A_376, %dma_start3A_378, %dma_start3A_379, %dma_start3A_380] : memref<4x4x8x129xf32, #tpu.memory_space<vmem>> -> memref<1x4x8x128xf32, #tpu.memory_space<vmem>>
    %dma_start3A_382 = tpu.memref_squeeze %dma_start3A_381 : memref<1x4x8x128xf32, #tpu.memory_space<vmem>> -> memref<4x8x128xf32, #tpu.memory_space<vmem>>
    %dma_start3A_383 = arith.constant 0 : i32
    %dma_start3A_384 = arith.constant 0 : i32
    %dma_start3A_385 = tpu.memref_slice %arg4[%select_n3A_317, %dma_start3A_377, %mul3A_335, %dma_start3A_383, %dma_start3A_384] : memref<50x4x128x8x128xf32, #tpu.memory_space<hbm>> -> memref<1x1x4x8x128xf32, #tpu.memory_space<hbm>>
    %dma_start3A_386 = tpu.memref_squeeze %dma_start3A_385 : memref<1x1x4x8x128xf32, #tpu.memory_space<hbm>> -> memref<4x8x128xf32, #tpu.memory_space<hbm>>
    %dma_start3A_387 = arith.constant 0 : i32
    %dma_start3A_388 = arith.constant 0 : i32
    %dma_start3A_389 = tpu.memref_slice %arg4[%select_n3A_317, %dma_start3A_377, %mul3A_335, %dma_start3A_387, %dma_start3A_388] : memref<50x4x128x8x128xf32, #tpu.memory_space<hbm>> -> memref<1x1x4x8x128xf32, #tpu.memory_space<hbm>>
    %dma_start3A_390 = tpu.memref_squeeze %dma_start3A_389 : memref<1x1x4x8x128xf32, #tpu.memory_space<hbm>> -> memref<4x8x128xf32, #tpu.memory_space<hbm>>
    %dma_start3A_391 = arith.constant 0 : i32
    %dma_start3A_392 = arith.constant 0 : i32
    %dma_start3A_393 = arith.constant 0 : i32
    %dma_start3A_394 = tpu.memref_slice %arg10[%dma_start3A_376, %dma_start3A_391, %dma_start3A_392, %dma_start3A_393] : memref<4x4x8x129xf32, #tpu.memory_space<vmem>> -> memref<1x4x8x128xf32, #tpu.memory_space<vmem>>
    %dma_start3A_395 = tpu.memref_squeeze %dma_start3A_394 : memref<1x4x8x128xf32, #tpu.memory_space<vmem>> -> memref<4x8x128xf32, #tpu.memory_space<vmem>>
    tpu.enqueue_dma source(%dma_start3A_395 : memref<4x8x128xf32, #tpu.memory_space<vmem>>) target(%dma_start3A_390 : memref<4x8x128xf32, #tpu.memory_space<hbm>>) target_semaphore(%arg13 : memref<!tpu.dma_semaphore, #tpu.memory_space<semaphore_mem>>)
    %dma_start3A_396 = arith.constant 3 : i32
    %dma_start3A_397 = arith.constant 3 : i32
    %dma_start3A_398 = arith.constant 0 : i32
    %dma_start3A_399 = arith.constant 0 : i32
    %dma_start3A_400 = arith.constant 0 : i32
    %dma_start3A_401 = tpu.memref_slice %arg10[%dma_start3A_396, %dma_start3A_398, %dma_start3A_399, %dma_start3A_400] : memref<4x4x8x129xf32, #tpu.memory_space<vmem>> -> memref<1x4x8x128xf32, #tpu.memory_space<vmem>>
    %dma_start3A_402 = tpu.memref_squeeze %dma_start3A_401 : memref<1x4x8x128xf32, #tpu.memory_space<vmem>> -> memref<4x8x128xf32, #tpu.memory_space<vmem>>
    %dma_start3A_403 = arith.constant 0 : i32
    %dma_start3A_404 = arith.constant 0 : i32
    %dma_start3A_405 = tpu.memref_slice %arg4[%select_n3A_317, %dma_start3A_397, %mul3A_335, %dma_start3A_403, %dma_start3A_404] : memref<50x4x128x8x128xf32, #tpu.memory_space<hbm>> -> memref<1x1x4x8x128xf32, #tpu.memory_space<hbm>>
    %dma_start3A_406 = tpu.memref_squeeze %dma_start3A_405 : memref<1x1x4x8x128xf32, #tpu.memory_space<hbm>> -> memref<4x8x128xf32, #tpu.memory_space<hbm>>
    %dma_start3A_407 = arith.constant 0 : i32
    %dma_start3A_408 = arith.constant 0 : i32
    %dma_start3A_409 = tpu.memref_slice %arg4[%select_n3A_317, %dma_start3A_397, %mul3A_335, %dma_start3A_407, %dma_start3A_408] : memref<50x4x128x8x128xf32, #tpu.memory_space<hbm>> -> memref<1x1x4x8x128xf32, #tpu.memory_space<hbm>>
    %dma_start3A_410 = tpu.memref_squeeze %dma_start3A_409 : memref<1x1x4x8x128xf32, #tpu.memory_space<hbm>> -> memref<4x8x128xf32, #tpu.memory_space<hbm>>
    %dma_start3A_411 = arith.constant 0 : i32
    %dma_start3A_412 = arith.constant 0 : i32
    %dma_start3A_413 = arith.constant 0 : i32
    %dma_start3A_414 = tpu.memref_slice %arg10[%dma_start3A_396, %dma_start3A_411, %dma_start3A_412, %dma_start3A_413] : memref<4x4x8x129xf32, #tpu.memory_space<vmem>> -> memref<1x4x8x128xf32, #tpu.memory_space<vmem>>
    %dma_start3A_415 = tpu.memref_squeeze %dma_start3A_414 : memref<1x4x8x128xf32, #tpu.memory_space<vmem>> -> memref<4x8x128xf32, #tpu.memory_space<vmem>>
    tpu.enqueue_dma source(%dma_start3A_415 : memref<4x8x128xf32, #tpu.memory_space<vmem>>) target(%dma_start3A_410 : memref<4x8x128xf32, #tpu.memory_space<hbm>>) target_semaphore(%arg13 : memref<!tpu.dma_semaphore, #tpu.memory_space<semaphore_mem>>)
    %dma_wait3A_416 = arith.constant 0 : i32
    %dma_wait3A_417 = arith.constant 0 : i32
    %dma_wait3A_418 = arith.constant 0 : i32
    %dma_wait3A_419 = arith.constant 0 : i32
    %dma_wait3A_420 = arith.constant 0 : i32
    %dma_wait3A_421 = arith.constant 0 : i32
    %dma_wait3A_422 = tpu.memref_slice %arg10[%dma_wait3A_416, %dma_wait3A_419, %dma_wait3A_420, %dma_wait3A_421] : memref<4x4x8x129xf32, #tpu.memory_space<vmem>> -> memref<1x4x8x128xf32, #tpu.memory_space<vmem>>
    %dma_wait3A_423 = tpu.memref_squeeze %dma_wait3A_422 : memref<1x4x8x128xf32, #tpu.memory_space<vmem>> -> memref<4x8x128xf32, #tpu.memory_space<vmem>>
    %dma_wait3A_424 = arith.constant 0 : i32
    %dma_wait3A_425 = arith.constant 0 : i32
    %dma_wait3A_426 = arith.constant 0 : i32
    %dma_wait3A_427 = tpu.memref_slice %arg4[%dma_wait3A_417, %dma_wait3A_418, %dma_wait3A_424, %dma_wait3A_425, %dma_wait3A_426] : memref<50x4x128x8x128xf32, #tpu.memory_space<hbm>> -> memref<1x1x4x8x128xf32, #tpu.memory_space<hbm>>
    %dma_wait3A_428 = tpu.memref_squeeze %dma_wait3A_427 : memref<1x1x4x8x128xf32, #tpu.memory_space<hbm>> -> memref<4x8x128xf32, #tpu.memory_space<hbm>>
    %dma_wait3A_429 = arith.constant 0 : i32
    %dma_wait3A_430 = arith.constant 0 : i32
    %dma_wait3A_431 = arith.constant 0 : i32
    %dma_wait3A_432 = tpu.memref_slice %arg4[%dma_wait3A_417, %dma_wait3A_418, %dma_wait3A_429, %dma_wait3A_430, %dma_wait3A_431] : memref<50x4x128x8x128xf32, #tpu.memory_space<hbm>> -> memref<1x1x4x8x128xf32, #tpu.memory_space<hbm>>
    %dma_wait3A_433 = tpu.memref_squeeze %dma_wait3A_432 : memref<1x1x4x8x128xf32, #tpu.memory_space<hbm>> -> memref<4x8x128xf32, #tpu.memory_space<hbm>>
    %dma_wait3A_434 = arith.constant 0 : i32
    %dma_wait3A_435 = arith.constant 0 : i32
    %dma_wait3A_436 = arith.constant 0 : i32
    %dma_wait3A_437 = tpu.memref_slice %arg10[%dma_wait3A_416, %dma_wait3A_434, %dma_wait3A_435, %dma_wait3A_436] : memref<4x4x8x129xf32, #tpu.memory_space<vmem>> -> memref<1x4x8x128xf32, #tpu.memory_space<vmem>>
    %dma_wait3A_438 = tpu.memref_squeeze %dma_wait3A_437 : memref<1x4x8x128xf32, #tpu.memory_space<vmem>> -> memref<4x8x128xf32, #tpu.memory_space<vmem>>
    tpu.wait_dma2 semaphore(%arg13 : memref<!tpu.dma_semaphore, #tpu.memory_space<semaphore_mem>>) src(%dma_wait3A_438 : memref<4x8x128xf32, #tpu.memory_space<vmem>>) dst(%dma_wait3A_433 : memref<4x8x128xf32, #tpu.memory_space<hbm>>)
    %dma_wait3A_439 = arith.constant 1 : i32
    %dma_wait3A_440 = arith.constant 0 : i32
    %dma_wait3A_441 = arith.constant 1 : i32
    %dma_wait3A_442 = arith.constant 0 : i32
    %dma_wait3A_443 = arith.constant 0 : i32
    %dma_wait3A_444 = arith.constant 0 : i32
    %dma_wait3A_445 = tpu.memref_slice %arg10[%dma_wait3A_439, %dma_wait3A_442, %dma_wait3A_443, %dma_wait3A_444] : memref<4x4x8x129xf32, #tpu.memory_space<vmem>> -> memref<1x4x8x128xf32, #tpu.memory_space<vmem>>
    %dma_wait3A_446 = tpu.memref_squeeze %dma_wait3A_445 : memref<1x4x8x128xf32, #tpu.memory_space<vmem>> -> memref<4x8x128xf32, #tpu.memory_space<vmem>>
    %dma_wait3A_447 = arith.constant 0 : i32
    %dma_wait3A_448 = arith.constant 0 : i32
    %dma_wait3A_449 = arith.constant 0 : i32
    %dma_wait3A_450 = tpu.memref_slice %arg4[%dma_wait3A_440, %dma_wait3A_441, %dma_wait3A_447, %dma_wait3A_448, %dma_wait3A_449] : memref<50x4x128x8x128xf32, #tpu.memory_space<hbm>> -> memref<1x1x4x8x128xf32, #tpu.memory_space<hbm>>
    %dma_wait3A_451 = tpu.memref_squeeze %dma_wait3A_450 : memref<1x1x4x8x128xf32, #tpu.memory_space<hbm>> -> memref<4x8x128xf32, #tpu.memory_space<hbm>>
    %dma_wait3A_452 = arith.constant 0 : i32
    %dma_wait3A_453 = arith.constant 0 : i32
    %dma_wait3A_454 = arith.constant 0 : i32
    %dma_wait3A_455 = tpu.memref_slice %arg4[%dma_wait3A_440, %dma_wait3A_441, %dma_wait3A_452, %dma_wait3A_453, %dma_wait3A_454] : memref<50x4x128x8x128xf32, #tpu.memory_space<hbm>> -> memref<1x1x4x8x128xf32, #tpu.memory_space<hbm>>
    %dma_wait3A_456 = tpu.memref_squeeze %dma_wait3A_455 : memref<1x1x4x8x128xf32, #tpu.memory_space<hbm>> -> memref<4x8x128xf32, #tpu.memory_space<hbm>>
    %dma_wait3A_457 = arith.constant 0 : i32
    %dma_wait3A_458 = arith.constant 0 : i32
    %dma_wait3A_459 = arith.constant 0 : i32
    %dma_wait3A_460 = tpu.memref_slice %arg10[%dma_wait3A_439, %dma_wait3A_457, %dma_wait3A_458, %dma_wait3A_459] : memref<4x4x8x129xf32, #tpu.memory_space<vmem>> -> memref<1x4x8x128xf32, #tpu.memory_space<vmem>>
    %dma_wait3A_461 = tpu.memref_squeeze %dma_wait3A_460 : memref<1x4x8x128xf32, #tpu.memory_space<vmem>> -> memref<4x8x128xf32, #tpu.memory_space<vmem>>
    tpu.wait_dma2 semaphore(%arg13 : memref<!tpu.dma_semaphore, #tpu.memory_space<semaphore_mem>>) src(%dma_wait3A_461 : memref<4x8x128xf32, #tpu.memory_space<vmem>>) dst(%dma_wait3A_456 : memref<4x8x128xf32, #tpu.memory_space<hbm>>)
    %dma_wait3A_462 = arith.constant 2 : i32
    %dma_wait3A_463 = arith.constant 0 : i32
    %dma_wait3A_464 = arith.constant 2 : i32
    %dma_wait3A_465 = arith.constant 0 : i32
    %dma_wait3A_466 = arith.constant 0 : i32
    %dma_wait3A_467 = arith.constant 0 : i32
    %dma_wait3A_468 = tpu.memref_slice %arg10[%dma_wait3A_462, %dma_wait3A_465, %dma_wait3A_466, %dma_wait3A_467] : memref<4x4x8x129xf32, #tpu.memory_space<vmem>> -> memref<1x4x8x128xf32, #tpu.memory_space<vmem>>
    %dma_wait3A_469 = tpu.memref_squeeze %dma_wait3A_468 : memref<1x4x8x128xf32, #tpu.memory_space<vmem>> -> memref<4x8x128xf32, #tpu.memory_space<vmem>>
    %dma_wait3A_470 = arith.constant 0 : i32
    %dma_wait3A_471 = arith.constant 0 : i32
    %dma_wait3A_472 = arith.constant 0 : i32
    %dma_wait3A_473 = tpu.memref_slice %arg4[%dma_wait3A_463, %dma_wait3A_464, %dma_wait3A_470, %dma_wait3A_471, %dma_wait3A_472] : memref<50x4x128x8x128xf32, #tpu.memory_space<hbm>> -> memref<1x1x4x8x128xf32, #tpu.memory_space<hbm>>
    %dma_wait3A_474 = tpu.memref_squeeze %dma_wait3A_473 : memref<1x1x4x8x128xf32, #tpu.memory_space<hbm>> -> memref<4x8x128xf32, #tpu.memory_space<hbm>>
    %dma_wait3A_475 = arith.constant 0 : i32
    %dma_wait3A_476 = arith.constant 0 : i32
    %dma_wait3A_477 = arith.constant 0 : i32
    %dma_wait3A_478 = tpu.memref_slice %arg4[%dma_wait3A_463, %dma_wait3A_464, %dma_wait3A_475, %dma_wait3A_476, %dma_wait3A_477] : memref<50x4x128x8x128xf32, #tpu.memory_space<hbm>> -> memref<1x1x4x8x128xf32, #tpu.memory_space<hbm>>
    %dma_wait3A_479 = tpu.memref_squeeze %dma_wait3A_478 : memref<1x1x4x8x128xf32, #tpu.memory_space<hbm>> -> memref<4x8x128xf32, #tpu.memory_space<hbm>>
    %dma_wait3A_480 = arith.constant 0 : i32
    %dma_wait3A_481 = arith.constant 0 : i32
    %dma_wait3A_482 = arith.constant 0 : i32
    %dma_wait3A_483 = tpu.memref_slice %arg10[%dma_wait3A_462, %dma_wait3A_480, %dma_wait3A_481, %dma_wait3A_482] : memref<4x4x8x129xf32, #tpu.memory_space<vmem>> -> memref<1x4x8x128xf32, #tpu.memory_space<vmem>>
    %dma_wait3A_484 = tpu.memref_squeeze %dma_wait3A_483 : memref<1x4x8x128xf32, #tpu.memory_space<vmem>> -> memref<4x8x128xf32, #tpu.memory_space<vmem>>
    tpu.wait_dma2 semaphore(%arg13 : memref<!tpu.dma_semaphore, #tpu.memory_space<semaphore_mem>>) src(%dma_wait3A_484 : memref<4x8x128xf32, #tpu.memory_space<vmem>>) dst(%dma_wait3A_479 : memref<4x8x128xf32, #tpu.memory_space<hbm>>)
    %dma_wait3A_485 = arith.constant 3 : i32
    %dma_wait3A_486 = arith.constant 0 : i32
    %dma_wait3A_487 = arith.constant 3 : i32
    %dma_wait3A_488 = arith.constant 0 : i32
    %dma_wait3A_489 = arith.constant 0 : i32
    %dma_wait3A_490 = arith.constant 0 : i32
    %dma_wait3A_491 = tpu.memref_slice %arg10[%dma_wait3A_485, %dma_wait3A_488, %dma_wait3A_489, %dma_wait3A_490] : memref<4x4x8x129xf32, #tpu.memory_space<vmem>> -> memref<1x4x8x128xf32, #tpu.memory_space<vmem>>
    %dma_wait3A_492 = tpu.memref_squeeze %dma_wait3A_491 : memref<1x4x8x128xf32, #tpu.memory_space<vmem>> -> memref<4x8x128xf32, #tpu.memory_space<vmem>>
    %dma_wait3A_493 = arith.constant 0 : i32
    %dma_wait3A_494 = arith.constant 0 : i32
    %dma_wait3A_495 = arith.constant 0 : i32
    %dma_wait3A_496 = tpu.memref_slice %arg4[%dma_wait3A_486, %dma_wait3A_487, %dma_wait3A_493, %dma_wait3A_494, %dma_wait3A_495] : memref<50x4x128x8x128xf32, #tpu.memory_space<hbm>> -> memref<1x1x4x8x128xf32, #tpu.memory_space<hbm>>
    %dma_wait3A_497 = tpu.memref_squeeze %dma_wait3A_496 : memref<1x1x4x8x128xf32, #tpu.memory_space<hbm>> -> memref<4x8x128xf32, #tpu.memory_space<hbm>>
    %dma_wait3A_498 = arith.constant 0 : i32
    %dma_wait3A_499 = arith.constant 0 : i32
    %dma_wait3A_500 = arith.constant 0 : i32
    %dma_wait3A_501 = tpu.memref_slice %arg4[%dma_wait3A_486, %dma_wait3A_487, %dma_wait3A_498, %dma_wait3A_499, %dma_wait3A_500] : memref<50x4x128x8x128xf32, #tpu.memory_space<hbm>> -> memref<1x1x4x8x128xf32, #tpu.memory_space<hbm>>
    %dma_wait3A_502 = tpu.memref_squeeze %dma_wait3A_501 : memref<1x1x4x8x128xf32, #tpu.memory_space<hbm>> -> memref<4x8x128xf32, #tpu.memory_space<hbm>>
    %dma_wait3A_503 = arith.constant 0 : i32
    %dma_wait3A_504 = arith.constant 0 : i32
    %dma_wait3A_505 = arith.constant 0 : i32
    %dma_wait3A_506 = tpu.memref_slice %arg10[%dma_wait3A_485, %dma_wait3A_503, %dma_wait3A_504, %dma_wait3A_505] : memref<4x4x8x129xf32, #tpu.memory_space<vmem>> -> memref<1x4x8x128xf32, #tpu.memory_space<vmem>>
    %dma_wait3A_507 = tpu.memref_squeeze %dma_wait3A_506 : memref<1x4x8x128xf32, #tpu.memory_space<vmem>> -> memref<4x8x128xf32, #tpu.memory_space<vmem>>
    tpu.wait_dma2 semaphore(%arg13 : memref<!tpu.dma_semaphore, #tpu.memory_space<semaphore_mem>>) src(%dma_wait3A_507 : memref<4x8x128xf32, #tpu.memory_space<vmem>>) dst(%dma_wait3A_502 : memref<4x8x128xf32, #tpu.memory_space<hbm>>)
    return
  }
}

module attributes {stable_mosaic.version = 14 : i64} {
  func.func @_linearize_body(%arg0: i32, %arg1: memref<32x16384xf32, #tpu.memory_space<vmem>>, %arg2: memref<16384x128xf32, #tpu.memory_space<vmem>>) attributes {dimension_semantics = [#tpu.dimension_semantics<arbitrary>], iteration_bounds = array<i64: 62>, scalar_prefetch = 0 : i64, scratch_operands = 0 : i64, tpu.core_type = #tpu.core_type<tc>, window_params = [{transform_indices = @transform_0, window_bounds = array<i64: 32, 16384>}, {transform_indices = @transform_1, window_bounds = array<i64: 16384, 128>}]} {
    %get3A = arith.constant 0 : index
    %get3A_0 = arith.constant 0 : index
    %get3A_1 = vector.load %arg1[%get3A, %get3A_0] : memref<32x16384xf32, #tpu.memory_space<vmem>>, vector<32x16384xf32>
    %transpose3A = tpu.transpose %get3A_1, [1, 0] : vector<32x16384xf32> -> vector<16384x32xf32>
    %swap3A = arith.constant 0 : index
    %swap3A_2 = arith.constant 0 : index
    %swap3A_3 = vector.load %arg2[%swap3A, %swap3A_2] : memref<16384x128xf32, #tpu.memory_space<vmem>>, vector<16384x32xf32>
    tpu.vector_store %arg2[%swap3A, %swap3A_2], %transpose3A {strides = array<i32>} : memref<16384x128xf32, #tpu.memory_space<vmem>>, vector<16384x32xf32>,
    return
  }
  func.func @transform_0(%arg0: i32) -> (i32, i32) {
    %c0_i32 = arith.constant 0 : i32
    %c0_i32_0 = arith.constant 0 : i32
    return %c0_i32, %arg0 : i32, i32
  }
  func.func @transform_1(%arg0: i32) -> (i32, i32) {
    %c0_i32 = arith.constant 0 : i32
    %c0_i32_0 = arith.constant 0 : i32
    return %arg0, %c0_i32 : i32, i32
  }
}

</mosaic_0001>

<sc_bundles>
// kernel: kernel.4.cloned.1.call-start
scs
__scs_entry_jumppad:
0x0: {  	(pc) =	sbr.rel $0x88, $3  }
0x1: {  	(tag) =	ssettag $0x0;
	lr =	simm.s32 $0x1  }
0x2: {  	[smem:$0x3F9F] =	sst lr;
	_ =	strace $0xD0000000  }
0x3: {  	_ = 	snop  }
0x4: {  	_ = 	snop  }
0x5: {  	_ = 	snop  }
0x6: {  	_ = 	snop  }
0x7: {  	_ = 	snop  }
__scs_overlays_trampoline_lowered:
0x8: {  	[smem:$0x3FAE] =	sst s0  }
0x9: {  	[smem:$0x3FAF] =	sst s1  }
0xa: {  	[smem:$0x3FB0] =	sst s2  }
0xb: {  	[smem:$0x3FB1] =	sst s3  }
0xc: {  	[smem:$0x3FB2] =	sst s4  }
0xd: {  	[smem:$0x3FB3] =	sst s5  }
0xe: {  	[smem:$0x3FB4] =	sst s6  }
0xf: {  	[smem:$0x3FB5] =	sst s7  }
0x10: {  	[smem:$0x3FB6] =	sst s8  }
0x11: {  	[smem:$0x3FB7] =	sst s9;
	s0 =	simm.s32 @!p0 $0x0  }
0x12: {  	s1 =	sld [smem:$0x3F9D];
	s0 =	simm.s32 @p0 $0x1  }
0x13: {  	[smem:$0x3FB8] =	sst s0;
	s0 =	simm.s32 @!p1 $0x0  }
0x14: {  	s2 =	sld [smem:$0x3F9C];
	s0 =	simm.s32 @p1 $0x1  }
0x15: {  	[smem:$0x3FB9] =	sst s0;
	s0 =	simm.s32 @!p2 $0x0  }
0x16: {  	s3 =	sld [smem:$0x3FDB];
	s0 =	simm.s32 @p2 $0x1  }
0x17: {  	s4 =	simm.s32 $0x1BF5;
	[smem:$0x3FBB] =	sst s0  }
0x18: {  	s0 =	sld [smem:$0x3F9E];
	_ =	swait.ge [sflag:s4], $0x0  }
0x19: {  	s7 =	sld [smem:$0x3F9F]  }
0x1a: {  	s8 =	sadd.s32 $0xFFFFE003, lr  }
0x1b: {  	s9 =	sadd.s32 $0xFFFFFEF7, lr;
	s5 =	simm.s32 $0xFFFFFFFF;
	p2 =	slt.u32 s8, $0xFFFFF086  }
0x1c: {  	p1 =	slt.u32 s9, $0xF7A;
	s5 =	simm.s32 @!p2 $0x0  }
0x1d: {  	s5 =	simm.s32 @p1 $0x1;
	p0 =	seq.s32 s7, s2  }
0x1e: {  	s7 =	smul.u32 @!p0 $0xF7A, s2;
	p2 =	seq.s32 @!p0 s5, $0x0  }
0x1f: {  	s9 =	smul.u32 $0xF7A, s1;
	s8 =	simm.s32 @!p0 $0x1BF5;
	p2 =	por !p2, p0  }
0x20: {  	[sflag:s8] =	ssyncset.s32 @!p0 $0xFFFFF086;
	s6 =	sadd.s32 @!p0 s3, s7;
	s7 =	simm.s32 @!p0 $0x108  }
0x21: {  	s3 =	sadd.s32 s3, s9;
	s6 =	sadd.s32 @!p0 $0x88, s6;
	s7 =	simm.s32 @p2 $0x1082  }
0x22: {  	[simem:s7], [sflag:s8] =	dma.local @!p0 [hbm:s6], $0xF7A  }
0x23: {  	s9 =	sor.u32 $0xD0000000, s2;
	s6 =	simm.s32 $0x108;
	_ =	swait.ge @!p0 [sflag:s8], $0x0  }
0x24: {  	s3 =	sadd.s32 $0x88, s3;
	s6 =	simm.s32 @!p1 $0x1082;
	[sflag:s4] =	ssyncset.s32 $0xFFFFF086  }
0x25: {  	[simem:s6], [sflag:s4] =	dma.local [hbm:s3], $0xF7A  }
0x26: {  	[smem:$0x3F9F] =	sst s1;
	(tag) =	ssettag s2;
	_ =	strace s9  }
0x27: {  	s1 =	sld [smem:$0x3FAF]  }
0x28: {  	s2 =	sld [smem:$0x3FB0]  }
0x29: {  	s4 =	sld [smem:$0x3FB2]  }
0x2a: {  	p0 =	seq.s32 s5, $0x0;
	s5 =	sld [smem:$0x3FB3]  }
0x2b: {  	s6 =	sld [smem:$0x3FB4]  }
0x2c: {  	s7 =	sld [smem:$0x3FB5]  }
0x2d: {  	s3 =	simm.s32 $0x108;
	s8 =	sld [smem:$0x3FB6]  }
0x2e: {  	s3 =	simm.s32 @!p0 $0x1082;
	s9 =	sld [smem:$0x3FB7]  }
0x2f: {  	lr =	sadd.s32 s0, s3;
	s0 =	sld [smem:$0x3FAE]  }
0x30: {  	s3 =	sld [smem:$0x3FB1]  }
0x31: {  	[smem:$0x3FBA] =	sst s10  }
0x32: {  	s10 =	sld [smem:$0x3FB8];
	_ =	sdelay $0x3  }
0x33: {  	p0 =	seq.s32 s10, $0x1;
	s10 =	sld [smem:$0x3FBA];
	_ =	sdelay $0x3  }
0x34: {  	[smem:$0x3FBA] =	sst s10  }
0x35: {  	s10 =	sld [smem:$0x3FB9];
	_ =	sdelay $0x3  }
0x36: {  	p1 =	seq.s32 s10, $0x1;
	s10 =	sld [smem:$0x3FBA];
	_ =	sdelay $0x3  }
0x37: {  	[smem:$0x3FBA] =	sst s10  }
0x38: {  	s10 =	sld [smem:$0x3FBB]  }
0x39: {  	_ = 	snop;
	(pc) =	sbr.ind lr, $3  }
0x3a: {  	_ = 	snop  }
0x3b: {  	_ = 	snop  }
0x3c: {  	p2 =	seq.s32 s10, $0x1;
	s10 =	sld [smem:$0x3FBA]  }
0x3d: {  	_ =	shalt  }
0x3e: {  	_ =	shalt  }
0x3f: {  	_ =	shalt  }
0x40: {  	_ =	shalt  }
0x41: {  	_ =	shalt  }
0x42: {  	_ =	shalt  }
0x43: {  	_ =	shalt  }
0x44: {  	_ =	shalt  }
0x45: {  	_ =	shalt  }
0x46: {  	_ =	shalt  }
0x47: {  	_ =	shalt  }
0x48: {  	_ =	shalt  }
0x49: {  	_ =	shalt  }
0x4a: {  	_ =	shalt  }
0x4b: {  	_ =	shalt  }
0x4c: {  	_ =	shalt  }
0x4d: {  	_ =	shalt  }
0x4e: {  	_ =	shalt  }
0x4f: {  	_ =	shalt  }
0x50: {  	_ =	shalt  }
0x51: {  	_ =	shalt  }
0x52: {  	_ =	shalt  }
0x53: {  	_ =	shalt  }
0x54: {  	_ =	shalt  }
0x55: {  	_ =	shalt  }
0x56: {  	_ =	shalt  }
0x57: {  	_ =	shalt  }
0x58: {  	_ =	shalt  }
0x59: {  	_ =	shalt  }
0x5a: {  	_ =	shalt  }
0x5b: {  	_ =	shalt  }
0x5c: {  	_ =	shalt  }
0x5d: {  	_ =	shalt  }
0x5e: {  	_ =	shalt  }
0x5f: {  	_ =	shalt  }
0x60: {  	_ =	shalt  }
0x61: {  	_ =	shalt  }
0x62: {  	_ =	shalt  }
0x63: {  	_ =	shalt  }
0x64: {  	_ =	shalt  }
0x65: {  	_ =	shalt  }
0x66: {  	_ =	shalt  }
0x67: {  	_ =	shalt  }
0x68: {  	_ =	shalt  }
0x69: {  	_ =	shalt  }
0x6a: {  	_ =	shalt  }
0x6b: {  	_ =	shalt  }
0x6c: {  	_ =	shalt  }
0x6d: {  	_ =	shalt  }
0x6e: {  	_ =	shalt  }
0x6f: {  	_ =	shalt  }
0x70: {  	_ =	shalt  }
0x71: {  	_ =	shalt  }
0x72: {  	_ =	shalt  }
0x73: {  	_ =	shalt  }
0x74: {  	_ =	shalt  }
0x75: {  	_ =	shalt  }
0x76: {  	_ =	shalt  }
0x77: {  	_ =	shalt  }
0x78: {  	_ =	shalt  }
0x79: {  	_ =	shalt  }
0x7a: {  	_ =	shalt  }
0x7b: {  	_ =	shalt  }
0x7c: {  	_ =	shalt  }
0x7d: {  	_ =	shalt  }
0x7e: {  	_ =	shalt  }
0x7f: {  	_ =	shalt  }
0x80: {  	_ =	shalt  }
0x81: {  	_ =	shalt  }
0x82: {  	_ =	shalt  }
0x83: {  	_ =	shalt  }
0x84: {  	_ =	shalt  }
0x85: {  	_ =	shalt  }
0x86: {  	_ =	shalt  }
0x87: {  	_ =	shalt  }
.Lfunc_end0:
.L_simem_size_0:
called_computation_lowered:
.L_overlay_start_0:
0x88: {  	s2 =	sld [smem:$0x3FD9]  }
0x89: {  	s3 =	sld [smem:$0x3FFE];
	_ =	sdelay $0x1  }
0x8a: {  	s1 =	srdreg.scid  }
0x8b: {  	s0 =	sand.u32 $0x1, s1  }
0x8c: {  	s17 =	sshll.u32 s0, $0xA;
	s2 =	sadd.s32 s3, s2  }
0x8d: {  	s2 =	sadd.s32 s2, s17  }
0x8e: {  	[smem:$0x3FC6] =	sst s2  }
0x8f: {  	_ = 	snop  }
0x90: {  	s2 =	sld [smem:$0x3FD0];
	(tm) =	ssettm $0x1  }
0x91: {  	s18 =	sld [smem:$0x3FFB];
	_ =	sdelay $0x3  }
0x92: {  	_ =	strace s18  }
0x93: {  	s3 =	sld [smem:$0x3FFC];
	_ =	sdelay $0x3  }
0x94: {  	_ =	strace s3  }
0x95: {  	s3 =	sld [smem:$0x3FFD];
	_ =	sdelay $0x3  }
0x96: {  	_ =	strace s3  }
0x97: {  	_ =	strace $0x8FFFFFFF  }
0x98: {  	s19 =	sld [smem:$0x3FDB];
	_ =	sdelay $0x1  }
0x99: {  	s4 =	simm.s32 $_scs_section_size  }
0x9a: {  	s5 =	simm.s32 $_size__tile_overlayer_lowered;
	s6 =	simm.s32 $_tile_overlayer_lowered  }
0x9b: {  	s22 =	simm.s32 $0x1BFF;
	s21 =	sshll.u32 s6, $0x1;
	s3 =	sadd.s32 s4, s19  }
0x9c: {  	s7 =	simm.s32 $0x0;
	s20 =	sshll.u32 s5, $0x1;
	s5 =	sadd.s32 s21, s3  }
0x9d: {  	[timem:s7], [sflag:s22] =	dma.local [hbm:s5], s20  }
0x9e: {  	_ =	swait.ge [sflag:s22], s20  }
0x9f: {  	s4 =	ssub.s32 $0x0, s20;
	[sflag:s22] =	ssyncset.done $0x0  }
0xa0: {  	[sflag:s22] =	ssyncadd.s32 s4;
	_ =	sdelay $0x1  }
0xa1: {  	s23 =	simm.s32 $0x1B8B  }
0xa2: {  	_ =	swait.ge [sflag:s23], $0x1  }
0xa3: {  	[sflag:s23] =	ssyncset.done $0x0  }
0xa4: {  	s25 =	simm.s32 $0x1B8E;
	s24 =	sld [smem:$0x3FFE];
	[sflag:s23] =	ssyncadd.s32 $0xFFFFFFFF  }
0xa5: {  	s26 =	simm.s32 $execute0_lowered;
	[smem:$0x3FD2] =	sst s25  }
0xa6: {  	s5 =	sshll.u32 s26, $0x1;
	_ =	strace $0x80000046;
	[dreg:$0x1] =	wrdreg $0xFFFFFFFF  }
0xa7: {  	s28 =	simm.s32 $_size_execute0_lowered;
	s3 =	sadd.s32 s3, s5;
	[dreg:$0x0] =	wrdreg $0x0  }
0xa8: {  	s5 =	sshll.u32 s28, $0x1;
	[dreg:$0x2] =	wrdreg s3  }
0xa9: {  	[dreg:$0x3] =	wrdreg s5  }
0xaa: {  	[dreg:$0x4] =	wrdreg $0xC0  }
0xab: {  	_ =	task [dreg:s7], $0x5FFFF  }
0xac: {  	[dreg:$0x1] =	wrdreg $0xFFFFFFFF  }
0xad: {  	[dreg:$0x0] =	wrdreg $0x60  }
0xae: {  	[dreg:$0x2] =	wrdreg s24  }
0xaf: {  	[dreg:$0x3] =	wrdreg s2  }
0xb0: {  	[dreg:$0x4] =	wrdreg $0x9  }
0xb1: {  	_ =	task.clear_ibuf [dreg:s7], $0x5FFFF;
	_ =	strace $0x90000046  }
0xb2: {  	s29 =	simm.s32 $0x9;
	_ =	strace $0x80000048  }
0xb3: {  	_ =	swait.ge [sflag:s29], $0x1  }
0xb4: {  	[sflag:s29] =	ssyncadd.s32 $0xFFFFFFFF  }
0xb5: {  	_ =	strace $0x90000048  }
0xb6: {  	_ =	sfence  }
0xb7: {  	s30 =	sld [smem:$0x0];
	_ =	sdelay $0x2  }
0xb8: {  	s31 =	sshll.u32 s1, $0xD;
	s1 =	sshrl.u32 s1, $0x2  }
0xb9: {  	s3 =	sand.u32 $0x4000, s31;
	s1 =	sadd.s32 s1, s30  }
0xba: {  	s0 =	sor.u32 s3, s0;
	s1 =	sshll.u32 s1, $0x11  }
0xbb: {  	s0 =	sor.u32 s1, s0  }
0xbc: {  	s0 =	sadd.s32 $0x8F2B, s0  }
0xbd: {  	[sflag:s0] =	ssyncadd.remote.s32 $0x1  }
0xbe: {  	_ =	sfence.sel $0xFFFF  }
0xbf: {  	[dreg:$0x0] =	wrdreg $0xFFFFFFFF;
	(pc) =	sbr.abs _section_cstart, $3  }
0xc0: {  	[dreg:$0x1] =	wrdreg $0xFFFFFFFF  }
0xc1: {  	_ =	task.clear_ibuf [dreg:s7], $0x2FFFF;
	_ =	strace $0x9FFFFFFF  }
0xc2: {  	(tm) =	ssettm $0x7FFFFFFF  }
0xc3: {  	_ =	shalt  }
tec
execute0_lowered:
.L_overlay_start_1:
0x0: {  	(tag) =	ssettag $0x1  }
0x1: {  	s1 =	srdreg.scid;
	s0 =	rddreg [dreg:$0x0]  }
0x2: {  	s2 =	stileid.u32;
	s16 =	rddreg [dreg:$0x1];
	s3 =	simm.s32 $0x0  }
0x3: {  	v0 =	vimm.s32 $0x14B8;
	s28 =	simm.s32 $0x8400;
	s29 =	simm.s32 $0x2;
	s30 =	simm.s32 $0x3  }
0x4: {  	vm0 =	vcmask $0x300;
	vm1 =	vcmask $0x704;
	v1 =	vimm.s32 $0x36B8;
	s31 =	simm.s32 $0xC800;
	s1 =	sand.u32 $0x1, s1;
	s2 =	sshll.u32 s2, $0x1  }
0x5: {  	vm2 =	vcmask $0xB08;
	v0 =	vsel vm0, $0x0, v0;
	[smem:$0x7FF] =	sst s3;
	v1 =	vsel vm0, $0x2200, v1;
	s9 =	sadd.s32 $0x400, s0;
	s2 =	sor.u32 s1, s2  }
0x6: {  	vm3 =	vcmask $0xF0C;
	s10 =	sadd.s32 $0x4000, s16;
	s12 =	sadd.s32 $0x8000, s16;
	v0 =	vsel vm1, $0x88, v0;
	v1 =	vsel vm1, $0x2288, v1;
	s4 =	smul.u32 $0x12000, s2  }
0x7: {  	vm15 =	vcmask $0x1310;
	s14 =	sadd.s32 $0xC000, s16;
	s1 =	ssub.s32 $0x2, s1;
	s5 =	smul.u32 $0xC8000, s2;
	v0 =	vsel vm2, $0x110, v0;
	v1 =	vsel vm2, $0x2310, v1  }
0x8: {  	vm6 =	vcmask $0x1714;
	_ =	strace $0x80000047;
	s6 =	sshrl.u32 s1, $0x1;
	s7 =	smul.u32 $0xC80, s2;
	v0 =	vsel vm3, $0x198, v0;
	v1 =	vsel vm3, $0x2398, v1  }
0x9: {  	vm7 =	vcmask $0x1B18;
	[dreg:$0x3] =	wrdreg s9;
	s20 =	smul.u32 $0x32, s2;
	s1 =	ssub.s32 s1, s6;
	v0 =	vsel vm15, $0x220, v0;
	v1 =	vsel vm15, $0x2420, v1  }
0xa: {  	vm8 =	vcmask $0x1F1C;
	s4 =	sand.u32 $0x1E000, s4;
	s8 =	sand.u32 $0x1F80000, s5;
	s5 =	sadd.s32 $0x19400, s0;
	v0 =	vsel vm6, $0x2A8, v0;
	v1 =	vsel vm6, $0x24A8, v1  }
0xb: {  	vm9 =	vcmask $0x2320;
	s7 =	sadd.s32 s9, s7;
	[dreg:$0x4] =	wrdreg s20;
	s23 =	sadd.s32 $0x31, s20;
	v0 =	vsel vm7, $0x330, v0;
	v1 =	vsel vm7, $0x2530, v1  }
0xc: {  	vm10 =	vcmask $0x2724;
	s0 =	sadd.s32 $0x4C0, s0;
	s26 =	smax.u32 s1, $0x1;
	[dreg:$0x5] =	wrdreg s7;
	v0 =	vsel vm8, $0x3B8, v0;
	v1 =	vsel vm8, $0x25B8, v1  }
0xd: {  	vm11 =	vcmask $0x2B28;
	s1 =	simm.s32 $0x0;
	s4 =	sor.u32 s4, s8;
	[dreg:$0x7] =	wrdreg s0;
	v0 =	vsel vm9, $0x1100, v0;
	v1 =	vsel vm9, $0x3300, v1  }
0xe: {  	vm12 =	vcmask $0x2F2C;
	s22 =	sadd.s32 $0x40, s7;
	s24 =	sshll.u32 s23, $0x9;
	[dreg:$0x8] =	wrdreg s26;
	v0 =	vsel vm10, $0x1188, v0;
	v1 =	vsel vm10, $0x3388, v1  }
0xf: {  	vm13 =	vcmask $0x3330;
	s21 =	sshrl.u32 s4, $0x3;
	[dreg:$0x6] =	wrdreg s22;
	s4 =	sshll.u32 s23, $0xB;
	v0 =	vsel vm11, $0x1210, v0;
	v1 =	vsel vm11, $0x3410, v1  }
0x10: {  	vm14 =	vcmask $0x3734;
	s7 =	sand.u32 $0x3E00, s24;
	s22 =	simm.s32 $0x4;
	s4 =	sand.u32 $0x7F0000, s4;
	v0 =	vsel vm12, $0x1298, v0;
	v1 =	vsel vm12, $0x3498, v1  }
0x11: {  	v2 =	vimm.s32 $0x0;
	s9 =	sadd.s32 s16, s21;
	s11 =	sadd.s32 s21, s10;
	s25 =	sor.u32 s7, s4;
	v0 =	vsel vm13, $0x1320, v0;
	v1 =	vsel vm13, $0x3520, v1  }
0x12: {  	vm15 =	vcmask $0x3B38;
	s13 =	sadd.s32 s21, s12;
	s15 =	sadd.s32 s21, s14;
	s17 =	sadd.s32 s16, s25;
	v0 =	vsel vm14, $0x13A8, v0;
	v3 =	vsel vm14, $0x35A8, v1  }
0x13: {  	s18 =	sadd.s32 s25, s10;
	s19 =	sadd.s32 s25, s12;
	s20 =	sadd.s32 s25, s14;
	v1 =	vsel vm0, $0x3, v2;
	v0 =	vsel vm15, $0x1430, v0;
	v2 =	vsel vm15, $0x3630, v3  }
.LBB2_1:
0x14: {  	[dreg:$0x9] =	wrdreg s1  }
0x15: {  	s0 =	rddreg [dreg:$0x5];
	s6 =	simm.s32 $0x200;
	s7 =	simm.s32 $0x400  }
0x16: {  	[tilespmem:s3], [sflag:$0x4] =	stream.linear.gather [hbm4b:s0+s3], $0x200, $0x38;
	[tilespmem:$0x10C00] =	vst v63  }
0x17: {  	s8 =	simm.s32 $0x1;
	s21 =	simm.s32 $0x0;
	_ =	swait.ge [sflag:s22], $0x200  }
0x18: {  	s4 =	simm.s32 $0x1;
	s23 =	simm.s32 $0x4;
	[sflag:s22] =	ssyncset.done $0x0  }
0x19: {  	s0 =	simm.s32 $0x0;
	s24 =	sand.u32 $0x78, s4;
	[sflag:s22] =	ssyncadd.s32 $0xFFFFFE00  }
0x1a: {  	[tilespmem:s7], [sflag:$0x1] =	stream.indirect.gather [hbm4b:s5+s6], $0x20, s3, s6, $0xb8;
	[tilespmem:$0x10C00] =	vst v63  }
0x1b: {  	v3 =	vmov s21;
	s1 =	sand.u32 $0x78, s23;
	s21 =	simm.s32 $0x2;
	_ =	swait.ge [sflag:s8], $0x4000  }
0x1c: {  	s2 =	sand.u32 $0x78, s0;
	v3 =	vmul.u32 $0x440, v3;
	v6 =	vmov s24;
	v7 =	vmov s1;
	s23 =	sand.u32 $0x78, s21;
	[sflag:s8] =	ssyncset.done $0x0  }
0x1d: {  	v4 =	vmov s2;
	v6 =	vshrl.u32 v6, $0x3;
	v11 =	vmov s23;
	s16 =	rddreg [dreg:$0x6];
	[sflag:s8] =	ssyncadd.s32 $0xFFFFC000  }
0x1e: {  	v4 =	vshrl.u32 v4, $0x3;
	v3 =	vbroadcast v3, $0x0;
	v6 =	vshll.u32 v6, v1;
	[tilespmem:s6], [sflag:$0x4] =	stream.linear.gather [hbm4b:s16+s3], $0x200, $0x38;
	[tilespmem:$0x10C00] =	vst v63  }
0x1f: {  	s26 =	simm.s32 $0x6;
	v11 =	vshrl.u32 v11, $0x3;
	s7 =	simm.s32 $0x7;
	v4 =	vshll.u32 v4, v1;
	v19 =	vbroadcast v6, $0x0;
	_ =	swait.ge [sflag:s22], $0x200  }
0x20: {  	s24 =	simm.s32 $0x4400;
	v6 =	vshrl.u32 v7, $0x3;
	s25 =	sand.u32 $0x78, s7;
	v4 =	vbroadcast v4, $0x0;
	v10 =	vadd.s32 v0, v3;
	[sflag:s22] =	ssyncset.done $0x0  }
0x21: {  	v3 =	vadd.s32 v2, v3;
	s7 =	simm.s32 $0x480;
	v5 =	vmov s25;
	v7 =	vadd.s32 v10, v19;
	s8 =	sand.u32 $0x78, s26;
	[sflag:s22] =	ssyncadd.s32 $0xFFFFFE00  }
0x22: {  	v5 =	vshrl.u32 v5, $0x3;
	v16 =	vadd.s32 v4, v3;
	v9 =	vmov s8;
	[tilespmem:s24], [sflag:$0x2] =	stream.indirect.gather [hbm4b:s5+s6], $0x20, s6, s6, $0xb8;
	[tilespmem:$0x10C00] =	vst v63  }
0x23: {  	s4 =	simm.s32 $0x3;
	v13 =	vadd.s32 v4, v10;
	v4 =	vshll.u32 v6, v1;
	v9 =	vshrl.u32 v9, $0x3;
	v12 =	vld [tilespmem:s7+$0xFFFFFF80]  }
0x24: {  	v15 =	vor.u32 $0x1, v7;
	s16 =	sand.u32 $0x78, s4;
	v5 =	vshll.u32 v5, v1;
	v6 =	vshll.u32 v9, v1  }
0x25: {  	s26 =	simm.s32 $0x5;
	v17 =	vbroadcast v4, $0x0;
	v8 =	vmov s16;
	v6 =	vbroadcast v6, $0x0  }
0x26: {  	s1 =	sand.u32 $0x78, s26;
	v7 =	vbroadcast v5, $0x0;
	v5 =	vshll.u32 v11, v1;
	v8 =	vshrl.u32 v8, $0x3;
	v14 =	vld [tilespmem:s7+$0xFFFFFFA0]  }
0x27: {  	v9 =	vmov s1;
	v22 =	vadd.s32 v3, v17;
	v4 =	vld [tilespmem:s7+$0xFFFFFFC0];
	v11 =	vadd.s32 v10, v6  }
0x28: {  	v25 =	vbroadcast v5, $0x0;
	v8 =	vshll.u32 v8, v1;
	v18 =	vld [tilespmem:s7+$0x40];
	v11 =	vor.u32 $0x6, v11;
	[tilespmem:v13+s28+$0x0] =	vst.idx.msk $0xffff, v12  }
0x29: {  	v9 =	vshrl.u32 v9, $0x3;
	v23 =	vbroadcast v8, $0x0;
	v12 =	vadd.s32 v10, v17;
	v20 =	vld [tilespmem:s7+$0xFFFFFF90]  }
0x2a: {  	v9 =	vshll.u32 v9, v1;
	v24 =	vld [tilespmem:s7+$0x0];
	v8 =	vadd.s32 v3, v6;
	v21 =	vor.u32 $0x4, v12  }
0x2b: {  	v5 =	vor.u32 $0x6, v8;
	v8 =	vadd.s32 v10, v7;
	[tilespmem:v15+s28+$0x0] =	vst.idx.msk $0xffff, v14;
	v14 =	vadd.s32 v10, v23;
	v15 =	vld [tilespmem:s7+$0x60]  }
0x2c: {  	v17 =	vor.u32 $0x7, v8;
	v8 =	vadd.s32 v10, v25;
	v13 =	vld [tilespmem:s7+$0xFFFFFFE0];
	v12 =	vbroadcast v9, $0x0  }
0x2d: {  	v6 =	vld [tilespmem:s7+$0xFFFFFFB0];
	v14 =	vor.u32 $0x3, v14;
	[tilespmem:v11+s28+$0x0] =	vst.idx.msk $0xffff, v18;
	v11 =	vor.u32 $0x2, v8;
	v18 =	vadd.s32 v3, v25  }
0x2e: {  	v8 =	vor.u32 $0x4, v22;
	v9 =	vadd.s32 v3, v12;
	v12 =	vadd.s32 v10, v12;
	v10 =	vld [tilespmem:s7+$0x50];
	[tilespmem:v16+s28+$0x0] =	vst.idx.msk $0xffff, v20  }
0x2f: {  	s25 =	simm.s32 $0x200;
	s1 =	simm.s32 $0x580;
	v12 =	vor.u32 $0x5, v12;
	v16 =	vld [tilespmem:s7+$0x20];
	v20 =	vadd.s32 v3, v19;
	v19 =	vadd.s32 v3, v23;
	[tilespmem:v21+s28+$0x0] =	vst.idx.msk $0xffff, v24  }
.LBB2_2:
0x30: {  	s2 =	sadd.s32 $0x9, s0  }
0x31: {  	s4 =	sadd.s32 $0xF, s0;
	v20 =	vor.u32 $0x1, v20;
	v21 =	vld [tilespmem:s7+$0x10];
	v3 =	vadd.s32 v3, v7;
	s8 =	smov.u32 s0;
	s0 =	sadd.s32 $0x8, s0  }
0x32: {  	v7 =	vor.u32 $0x2, v18;
	v18 =	vor.u32 $0x3, v19;
	s21 =	sshrl.u32 s0, $0x7;
	s24 =	sand.u32 $0x78, s0;
	s26 =	sadd.s32 $0xC, s8;
	[tilespmem:v17+s28+$0x0] =	vst.idx.msk $0xffff, v15;
	v15 =	vor.u32 $0x7, v3  }
0x33: {  	v9 =	vor.u32 $0x5, v9;
	s2 =	sand.u32 $0x78, s2;
	s4 =	sand.u32 $0x78, s4;
	v3 =	vmov s21;
	v17 =	vmov s24;
	s21 =	sadd.s32 $0xE, s8;
	[tilespmem:v14+s28+$0x0] =	vst.idx.msk $0xffff, v13  }
0x34: {  	s24 =	sand.u32 $0x78, s26;
	s26 =	sadd.s32 $0xD, s8;
	v14 =	vmov s4;
	v13 =	vshrl.u32 v17, $0x3;
	v3 =	vmul.u32 $0x440, v3;
	s21 =	sand.u32 $0x78, s21;
	[tilespmem:v12+s28+$0x0] =	vst.idx.msk $0xffff, v16;
	v12 =	vld [tilespmem:s7+$0x70]  }
0x35: {  	s4 =	sadd.s32 $0xB, s8;
	v16 =	vmov s2;
	s2 =	sadd.s32 $0xA, s8;
	v17 =	vmov s24;
	s8 =	sand.u32 $0x78, s26;
	v13 =	vshll.u32 v13, v1;
	[tilespmem:v11+s28+$0x0] =	vst.idx.msk $0xffff, v4;
	v4 =	vld [tilespmem:s7+$0x30]  }
0x36: {  	p0 =	slt.u32 s0, $0x1F8;
	s4 =	sand.u32 $0x78, s4;
	s2 =	sand.u32 $0x78, s2;
	v3 =	vbroadcast v3, $0x0;
	v11 =	vbroadcast v13, $0x0;
	v13 =	vshrl.u32 v16, $0x3;
	[tilespmem:v20+s28+$0x0] =	vst.idx.msk $0xffff, v6;
	v6 =	vld [tilespmem:s7+$0xFFFFFFD0]  }
0x37: {  	v14 =	vshrl.u32 v14, $0x3;
	v19 =	vmov s21;
	v16 =	vmov s4;
	v20 =	vld [tilespmem:s7+$0xFFFFFFF0];
	[tilespmem:v5+s28+$0x0] =	vst.idx.msk $0xffff, v10;
	s7 =	smov.u32 s1  }
0x38: {  	v5 =	vshrl.u32 v19, $0x3;
	v10 =	vadd.s32 v0, v3;
	v3 =	vadd.s32 v2, v3;
	[tilespmem:v8+s28+$0x0] =	vst.idx.msk $0xffff, v21  }
0x39: {  	v14 =	vshll.u32 v14, v1;
	v8 =	vshll.u32 v13, v1;
	v13 =	vmov s2;
	[tilespmem:v15+s28+$0x0] =	vst.idx.msk $0xffff, v12  }
0x3a: {  	v19 =	vadd.s32 v11, v3;
	v21 =	vbroadcast v8, $0x0;
	v8 =	vshrl.u32 v17, $0x3;
	[tilespmem:v9+s28+$0x0] =	vst.idx.msk $0xffff, v4  }
0x3b: {  	v5 =	vshll.u32 v5, v1;
	v11 =	vadd.s32 v11, v10;
	v4 =	vshll.u32 v8, v1;
	v9 =	vld [tilespmem:s1+$0xFFFFFF80]  }
0x3c: {  	v12 =	vshrl.u32 v16, $0x3;
	v15 =	vmov s8;
	v8 =	vadd.s32 v10, v21;
	[tilespmem:v18+s28+$0x0] =	vst.idx.msk $0xffff, v20  }
0x3d: {  	v5 =	vbroadcast v5, $0x0;
	v15 =	vshrl.u32 v15, $0x3;
	v8 =	vor.u32 $0x1, v8;
	v16 =	vld [tilespmem:s1+$0xFFFFFFA0];
	[tilespmem:v7+s28+$0x0] =	vst.idx.msk $0xffff, v6  }
0x3e: {  	v6 =	vshrl.u32 v13, $0x3;
	v13 =	vbroadcast v4, $0x0;
	v7 =	vbroadcast v14, $0x0  }
0x3f: {  	v14 =	vshll.u32 v15, v1;
	v15 =	vadd.s32 v10, v5;
	v6 =	vshll.u32 v6, v1;
	v4 =	vld [tilespmem:s1+$0xFFFFFFC0]  }
0x40: {  	v20 =	vor.u32 $0x6, v15;
	[tilespmem:v11+s28+$0x0] =	vst.idx.msk $0xffff, v9;
	v9 =	vshll.u32 v12, v1;
	v11 =	vadd.s32 v10, v13;
	v18 =	vld [tilespmem:s1+$0x40]  }
0x41: {  	v24 =	vadd.s32 v3, v13;
	v22 =	vld [tilespmem:s1+$0xFFFFFF90];
	v23 =	vor.u32 $0x4, v11;
	v11 =	vbroadcast v14, $0x0  }
0x42: {  	v5 =	vadd.s32 v3, v5;
	v25 =	vbroadcast v9, $0x0;
	[tilespmem:v8+s28+$0x0] =	vst.idx.msk $0xffff, v16;
	v8 =	vbroadcast v6, $0x0;
	v26 =	vld [tilespmem:s1+$0x0]  }
.Ltmp0:
0x43: {  	v5 =	vor.u32 $0x6, v5;
	v12 =	vadd.s32 v10, v7;
	v6 =	vld [tilespmem:s1+$0xFFFFFFB0];
	v9 =	vadd.s32 v3, v11;
	(pc) =	sbr.rel @p0 .LBB2_2-.Ltmp0, $4  }
0x44: {  	v17 =	vor.u32 $0x7, v12;
	v14 =	vadd.s32 v10, v25;
	v11 =	vadd.s32 v10, v11;
	v15 =	vld [tilespmem:s1+$0x60]  }
0x45: {  	v10 =	vadd.s32 v10, v8;
	v14 =	vor.u32 $0x3, v14;
	v12 =	vor.u32 $0x5, v11;
	v13 =	vld [tilespmem:s1+$0xFFFFFFE0];
	[tilespmem:v20+s28+$0x0] =	vst.idx.msk $0xffff, v18  }
0x46: {  	v11 =	vor.u32 $0x2, v10;
	v18 =	vadd.s32 v3, v8;
	v8 =	vor.u32 $0x4, v24;
	[tilespmem:v19+s28+$0x0] =	vst.idx.msk $0xffff, v22;
	v16 =	vld [tilespmem:s1+$0x20]  }
0x47: {  	v20 =	vadd.s32 v3, v21;
	v19 =	vadd.s32 v3, v25;
	s1 =	sadd.s32 $0x100, s1;
	[tilespmem:v23+s28+$0x0] =	vst.idx.msk $0xffff, v26;
	v10 =	vld [tilespmem:s7+$0x50]  }
0x48: {  	_ =	sdelay $0x3  }
0x49: {  	v20 =	vor.u32 $0x1, v20;
	[tilespmem:v11+s28+$0x0] =	vst.idx.msk $0xffff, v4  }
0x4a: {  	v57 =	vld [tilespmem:s7+$0x10];
	[tilespmem:v17+s28+$0x0] =	vst.idx.msk $0xffff, v15  }
0x4b: {  	v3 =	vadd.s32 v3, v7;
	v62 =	vor.u32 $0x2, v18;
	v63 =	vld [tilespmem:s7+$0xFFFFFFD0];
	[tilespmem:v14+s28+$0x0] =	vst.idx.msk $0xffff, v13  }
0x4c: {  	v3 =	vor.u32 $0x7, v3;
	v58 =	vld [tilespmem:s7+$0x70];
	[tilespmem:v12+s28+$0x0] =	vst.idx.msk $0xffff, v16  }
0x4d: {  	v60 =	vor.u32 $0x3, v19;
	v61 =	vld [tilespmem:s7+$0xFFFFFFF0];
	[tilespmem:v5+s28+$0x0] =	vst.idx.msk $0xffff, v10  }
0x4e: {  	v9 =	vor.u32 $0x5, v9;
	v59 =	vld [tilespmem:s7+$0x30];
	[tilespmem:v20+s28+$0x0] =	vst.idx.msk $0xffff, v6  }
0x4f: {  	[tilespmem:v8+s28+$0x0] =	vst.idx.msk $0xffff, v57  }
0x50: {  	[tilespmem:v62+s28+$0x0] =	vst.idx.msk $0xffff, v63  }
0x51: {  	[tilespmem:v3+s28+$0x0] =	vst.idx.msk $0xffff, v58  }
0x52: {  	[tilespmem:v60+s28+$0x0] =	vst.idx.msk $0xffff, v61  }
0x53: {  	s0 =	simm.s32 $0x8400;
	s1 =	simm.s32 $0x10;
	[tilespmem:v9+s28+$0x0] =	vst.idx.msk $0xffff, v59  }
0x54: {  	s2 =	sadd.s32 $0x0, s9;
	s7 =	simm.s32 $0x8488;
	[bflag:$0x0] =	sbarrier.arrive $0xFFFF  }
.LBB2_4:
0x55: {  	[hbm4b:s2+s3] =	stream.linear.scatter [tilespmem:s0], [sflag:$0x3], $0x80, $0x38;
	[tilespmem:$0x10C00] =	vst v63  }
0x56: {  	s2 =	smov.u32 s1;
	s0 =	smov.u32 s7;
	p0 =	sne.s32 s1, $0x1F0  }
.Ltmp1:
0x57: {  	s1 =	sadd.s32 $0x10, s1;
	(pc) =	sbr.rel @p0 .LBB2_4-.Ltmp1, $2  }
0x58: {  	_ =	sdelay $0x2  }
0x59: {  	s7 =	sadd.s32 $0x88, s7;
	s2 =	sadd.s32 s2, s9  }
0x5a: {  	[hbm4b:s2+s3] =	stream.linear.scatter [tilespmem:s0], [sflag:$0x3], $0x80, $0x38;
	[tilespmem:$0x10C00] =	vst v63  }
0x5b: {  	s0 =	simm.s32 $0x9500  }
0x5c: {  	s1 =	simm.s32 $0x10;
	s2 =	sadd.s32 $0x0, s11;
	s7 =	simm.s32 $0x9588  }
.LBB2_6:
0x5d: {  	[hbm4b:s2+s3] =	stream.linear.scatter [tilespmem:s0], [sflag:$0x3], $0x80, $0x38;
	[tilespmem:$0x10C00] =	vst v63  }
0x5e: {  	s2 =	smov.u32 s1;
	s0 =	smov.u32 s7;
	p0 =	sne.s32 s1, $0x1F0  }
.Ltmp2:
0x5f: {  	s1 =	sadd.s32 $0x10, s1;
	(pc) =	sbr.rel @p0 .LBB2_6-.Ltmp2, $2  }
0x60: {  	_ =	sdelay $0x2  }
0x61: {  	s7 =	sadd.s32 $0x88, s7;
	s2 =	sadd.s32 s2, s11  }
0x62: {  	[hbm4b:s2+s3] =	stream.linear.scatter [tilespmem:s0], [sflag:$0x3], $0x80, $0x38;
	[tilespmem:$0x10C00] =	vst v63  }
0x63: {  	s0 =	simm.s32 $0xA600  }
0x64: {  	s1 =	simm.s32 $0x10;
	s2 =	sadd.s32 $0x0, s13;
	s7 =	simm.s32 $0xA688  }
.LBB2_8:
0x65: {  	[hbm4b:s2+s3] =	stream.linear.scatter [tilespmem:s0], [sflag:$0x3], $0x80, $0x38;
	[tilespmem:$0x10C00] =	vst v63  }
0x66: {  	s2 =	smov.u32 s1;
	s0 =	smov.u32 s7;
	p0 =	sne.s32 s1, $0x1F0  }
.Ltmp3:
0x67: {  	s1 =	sadd.s32 $0x10, s1;
	(pc) =	sbr.rel @p0 .LBB2_8-.Ltmp3, $2  }
0x68: {  	_ =	sdelay $0x2  }
0x69: {  	s7 =	sadd.s32 $0x88, s7;
	s2 =	sadd.s32 s2, s13  }
0x6a: {  	[hbm4b:s2+s3] =	stream.linear.scatter [tilespmem:s0], [sflag:$0x3], $0x80, $0x38;
	[tilespmem:$0x10C00] =	vst v63  }
0x6b: {  	s0 =	simm.s32 $0x0;
	s1 =	simm.s32 $0xB700  }
0x6c: {  	s7 =	simm.s32 $0x10;
	s2 =	sadd.s32 $0x0, s15;
	s8 =	simm.s32 $0xB788  }
.LBB2_10:
0x6d: {  	[hbm4b:s2+s0] =	stream.linear.scatter [tilespmem:s1], [sflag:$0x3], $0x80, $0x38;
	[tilespmem:$0x10C00] =	vst v63  }
0x6e: {  	s2 =	smov.u32 s7;
	s1 =	smov.u32 s8;
	p0 =	sne.s32 s7, $0x1F0  }
.Ltmp4:
0x6f: {  	s7 =	sadd.s32 $0x10, s7;
	(pc) =	sbr.rel @p0 .LBB2_10-.Ltmp4, $2  }
0x70: {  	_ =	sdelay $0x2  }
0x71: {  	s8 =	sadd.s32 $0x88, s8;
	s2 =	sadd.s32 s2, s15  }
0x72: {  	[hbm4b:s2+s0] =	stream.linear.scatter [tilespmem:s1], [sflag:$0x3], $0x80, $0x38;
	[tilespmem:$0x10C00] =	vst v63  }
.LBB2_12:
0x73: {  	s1 =	sshll.u32 s0, $0x1;
	s2 =	rddreg [dreg:$0x4]  }
0x74: {  	s21 =	sadd.s32 s2, s1  }
0x75: {  	s8 =	sadd.s32 $0x2, s21  }
0x76: {  	_ =	swait.ge [sflag:s29], $0x4000;
	s23 =	sshll.u32 s8, $0x6  }
0x77: {  	[sflag:s29] =	ssyncset.done $0x0;
	s24 =	rddreg [dreg:$0x3];
	s1 =	sand.u32 $0x1FFFFF80, s23  }
0x78: {  	[sflag:s29] =	ssyncadd.s32 $0xFFFFC000;
	s1 =	sadd.s32 s24, s1  }
0x79: {  	[tilespmem:s3], [sflag:$0x4] =	stream.linear.gather [hbm4b:s1+s3], $0x200, $0x38;
	[tilespmem:$0x10C00] =	vst v63  }
0x7a: {  	_ =	swait.ge [sflag:s22], $0x200  }
0x7b: {  	[sflag:s22] =	ssyncset.done $0x0  }
0x7c: {  	s26 =	simm.s32 $0x400;
	[sflag:s22] =	ssyncadd.s32 $0xFFFFFE00  }
0x7d: {  	[tilespmem:s26], [sflag:$0x1] =	stream.indirect.gather [hbm4b:s5+s25], $0x20, s3, s25, $0xb8;
	[tilespmem:$0x10C00] =	vst v63  }
0x7e: {  	_ =	swait.ge [sflag:s30], $0x1000  }
0x7f: {  	[sflag:s30] =	ssyncset.done $0x0  }
0x80: {  	s7 =	simm.s32 $0x0;
	s2 =	simm.s32 $0x0;
	[sflag:s30] =	ssyncadd.s32 $0xFFFFF000  }
0x81: {  	s6 =	sand.u32 $0x78, s7;
	v3 =	vmov s2;
	_ =	swait.ge [sflag:s30], $0x1000  }
0x82: {  	s4 =	simm.s32 $0x1;
	v4 =	vmov s6;
	v3 =	vmul.u32 $0x440, v3;
	[sflag:s30] =	ssyncset.done $0x0  }
0x83: {  	s6 =	simm.s32 $0x3;
	v4 =	vshrl.u32 v4, $0x3;
	s23 =	sand.u32 $0x78, s4;
	[sflag:s30] =	ssyncadd.s32 $0xFFFFF000  }
0x84: {  	s16 =	simm.s32 $0x4;
	v4 =	vshll.u32 v4, v1;
	v6 =	vmov s23;
	v3 =	vbroadcast v3, $0x0;
	s23 =	sand.u32 $0x78, s6;
	_ =	swait.ge [sflag:s30], $0x1000  }
0x85: {  	v4 =	vbroadcast v4, $0x0;
	s1 =	sand.u32 $0x78, s16;
	v6 =	vshrl.u32 v6, $0x3;
	v8 =	vmov s23;
	[sflag:s30] =	ssyncset.done $0x0  }
0x86: {  	v7 =	vmov s1;
	v10 =	vadd.s32 v0, v3;
	v6 =	vshll.u32 v6, v1;
	[sflag:s30] =	ssyncadd.s32 $0xFFFFF000  }
0x87: {  	v3 =	vadd.s32 v2, v3;
	v8 =	vshrl.u32 v8, $0x3;
	v19 =	vbroadcast v6, $0x0;
	s26 =	simm.s32 $0x6;
	_ =	swait.ge [sflag:s30], $0x1000  }
0x88: {  	v6 =	vshrl.u32 v7, $0x3;
	v16 =	vadd.s32 v4, v3;
	v13 =	vadd.s32 v4, v10;
	s16 =	sand.u32 $0x78, s26;
	[sflag:s30] =	ssyncset.done $0x0  }
0x89: {  	s24 =	simm.s32 $0x7;
	s1 =	simm.s32 $0x4480;
	v8 =	vshll.u32 v8, v1;
	v4 =	vshll.u32 v6, v1;
	v9 =	vmov s16;
	[sflag:s30] =	ssyncadd.s32 $0xFFFFF000  }
0x8a: {  	v23 =	vbroadcast v8, $0x0;
	s25 =	sand.u32 $0x78, s24;
	s24 =	simm.s32 $0x2;
	v7 =	vadd.s32 v10, v19;
	v9 =	vshrl.u32 v9, $0x3;
	v12 =	vld [tilespmem:s1+$0xFFFFFF80]  }
0x8b: {  	v17 =	vbroadcast v4, $0x0;
	v5 =	vmov s25;
	s25 =	sand.u32 $0x78, s24;
	v6 =	vshll.u32 v9, v1  }
0x8c: {  	v5 =	vshrl.u32 v5, $0x3;
	v11 =	vmov s25;
	v6 =	vbroadcast v6, $0x0  }
0x8d: {  	s26 =	simm.s32 $0x5;
	v15 =	vor.u32 $0x1, v7;
	v5 =	vshll.u32 v5, v1;
	v11 =	vshrl.u32 v11, $0x3;
	v14 =	vld [tilespmem:s1+$0xFFFFFFA0]  }
0x8e: {  	s2 =	sand.u32 $0x78, s26;
	v7 =	vbroadcast v5, $0x0;
	v5 =	vshll.u32 v11, v1;
	v11 =	vadd.s32 v10, v6;
	v4 =	vld [tilespmem:s1+$0xFFFFFFC0]  }
0x8f: {  	v22 =	vadd.s32 v3, v17;
	v9 =	vmov s2;
	v11 =	vor.u32 $0x6, v11;
	v18 =	vld [tilespmem:s1+$0x40];
	[tilespmem:v13+s31+$0x0] =	vst.idx.msk $0xffff, v12  }
0x90: {  	v9 =	vshrl.u32 v9, $0x3;
	v25 =	vbroadcast v5, $0x0;
	v12 =	vadd.s32 v10, v17;
	v20 =	vld [tilespmem:s1+$0xFFFFFF90]  }
0x91: {  	v9 =	vshll.u32 v9, v1;
	v8 =	vadd.s32 v3, v6;
	v24 =	vld [tilespmem:s1+$0x0];
	v21 =	vor.u32 $0x4, v12  }
0x92: {  	v5 =	vor.u32 $0x6, v8;
	v8 =	vadd.s32 v10, v7;
	[tilespmem:v15+s31+$0x0] =	vst.idx.msk $0xffff, v14;
	v14 =	vadd.s32 v10, v23;
	v15 =	vld [tilespmem:s1+$0x60]  }
0x93: {  	v17 =	vor.u32 $0x7, v8;
	v8 =	vadd.s32 v10, v25;
	v13 =	vld [tilespmem:s1+$0xFFFFFFE0];
	v12 =	vbroadcast v9, $0x0  }
0x94: {  	[tilespmem:v11+s31+$0x0] =	vst.idx.msk $0xffff, v18;
	v18 =	vadd.s32 v3, v25;
	v6 =	vld [tilespmem:s1+$0xFFFFFFB0];
	v14 =	vor.u32 $0x3, v14;
	v11 =	vor.u32 $0x2, v8  }
0x95: {  	v8 =	vor.u32 $0x4, v22;
	v9 =	vadd.s32 v3, v12;
	v12 =	vadd.s32 v10, v12;
	v10 =	vld [tilespmem:s1+$0x50];
	[tilespmem:v16+s31+$0x0] =	vst.idx.msk $0xffff, v20  }
0x96: {  	s24 =	simm.s32 $0x4580;
	v12 =	vor.u32 $0x5, v12;
	v16 =	vld [tilespmem:s1+$0x20];
	v20 =	vadd.s32 v3, v19;
	v19 =	vadd.s32 v3, v23;
	[tilespmem:v21+s31+$0x0] =	vst.idx.msk $0xffff, v24  }
.LBB2_13:
0x97: {  	s2 =	sadd.s32 $0x9, s7  }
0x98: {  	s4 =	sadd.s32 $0xF, s7;
	v20 =	vor.u32 $0x1, v20;
	v21 =	vld [tilespmem:s1+$0x10];
	v3 =	vadd.s32 v3, v7;
	s26 =	smov.u32 s7;
	s7 =	sadd.s32 $0x8, s7  }
0x99: {  	v7 =	vor.u32 $0x2, v18;
	v18 =	vor.u32 $0x3, v19;
	s6 =	sshrl.u32 s7, $0x7;
	s16 =	sand.u32 $0x78, s7;
	s23 =	sadd.s32 $0xC, s26;
	[tilespmem:v17+s31+$0x0] =	vst.idx.msk $0xffff, v15;
	v15 =	vor.u32 $0x7, v3  }
0x9a: {  	v9 =	vor.u32 $0x5, v9;
	s2 =	sand.u32 $0x78, s2;
	s4 =	sand.u32 $0x78, s4;
	v3 =	vmov s6;
	v17 =	vmov s16;
	s6 =	sadd.s32 $0xE, s26;
	[tilespmem:v14+s31+$0x0] =	vst.idx.msk $0xffff, v13  }
0x9b: {  	s16 =	sand.u32 $0x78, s23;
	s23 =	sadd.s32 $0xD, s26;
	v14 =	vmov s4;
	v13 =	vshrl.u32 v17, $0x3;
	v3 =	vmul.u32 $0x440, v3;
	s6 =	sand.u32 $0x78, s6;
	[tilespmem:v12+s31+$0x0] =	vst.idx.msk $0xffff, v16;
	v12 =	vld [tilespmem:s1+$0x70]  }
0x9c: {  	s4 =	sadd.s32 $0xB, s26;
	v16 =	vmov s2;
	s2 =	sadd.s32 $0xA, s26;
	v17 =	vmov s16;
	s16 =	sand.u32 $0x78, s23;
	v13 =	vshll.u32 v13, v1;
	[tilespmem:v11+s31+$0x0] =	vst.idx.msk $0xffff, v4;
	v4 =	vld [tilespmem:s1+$0x30]  }
0x9d: {  	p0 =	slt.u32 s7, $0x1F8;
	s4 =	sand.u32 $0x78, s4;
	s2 =	sand.u32 $0x78, s2;
	v3 =	vbroadcast v3, $0x0;
	v11 =	vbroadcast v13, $0x0;
	v13 =	vshrl.u32 v16, $0x3;
	[tilespmem:v20+s31+$0x0] =	vst.idx.msk $0xffff, v6;
	v6 =	vld [tilespmem:s1+$0xFFFFFFD0]  }
0x9e: {  	v14 =	vshrl.u32 v14, $0x3;
	v19 =	vmov s6;
	v16 =	vmov s4;
	v20 =	vld [tilespmem:s1+$0xFFFFFFF0];
	[tilespmem:v5+s31+$0x0] =	vst.idx.msk $0xffff, v10;
	s1 =	smov.u32 s24  }
0x9f: {  	v5 =	vshrl.u32 v19, $0x3;
	v10 =	vadd.s32 v0, v3;
	v3 =	vadd.s32 v2, v3;
	[tilespmem:v8+s31+$0x0] =	vst.idx.msk $0xffff, v21  }
0xa0: {  	v14 =	vshll.u32 v14, v1;
	v8 =	vshll.u32 v13, v1;
	v13 =	vmov s2;
	[tilespmem:v15+s31+$0x0] =	vst.idx.msk $0xffff, v12  }
0xa1: {  	v19 =	vadd.s32 v11, v3;
	v21 =	vbroadcast v8, $0x0;
	v8 =	vshrl.u32 v17, $0x3;
	[tilespmem:v9+s31+$0x0] =	vst.idx.msk $0xffff, v4  }
0xa2: {  	v5 =	vshll.u32 v5, v1;
	v11 =	vadd.s32 v11, v10;
	v4 =	vshll.u32 v8, v1;
	v9 =	vld [tilespmem:s24+$0xFFFFFF80]  }
0xa3: {  	v12 =	vshrl.u32 v16, $0x3;
	v15 =	vmov s16;
	v8 =	vadd.s32 v10, v21;
	[tilespmem:v18+s31+$0x0] =	vst.idx.msk $0xffff, v20  }
0xa4: {  	v5 =	vbroadcast v5, $0x0;
	v15 =	vshrl.u32 v15, $0x3;
	v8 =	vor.u32 $0x1, v8;
	v16 =	vld [tilespmem:s24+$0xFFFFFFA0];
	[tilespmem:v7+s31+$0x0] =	vst.idx.msk $0xffff, v6  }
0xa5: {  	v6 =	vshrl.u32 v13, $0x3;
	v13 =	vbroadcast v4, $0x0;
	v7 =	vbroadcast v14, $0x0  }
0xa6: {  	v14 =	vshll.u32 v15, v1;
	v15 =	vadd.s32 v10, v5;
	v6 =	vshll.u32 v6, v1;
	v4 =	vld [tilespmem:s24+$0xFFFFFFC0]  }
0xa7: {  	v20 =	vor.u32 $0x6, v15;
	[tilespmem:v11+s31+$0x0] =	vst.idx.msk $0xffff, v9;
	v9 =	vshll.u32 v12, v1;
	v11 =	vadd.s32 v10, v13;
	v18 =	vld [tilespmem:s24+$0x40]  }
0xa8: {  	v24 =	vadd.s32 v3, v13;
	v22 =	vld [tilespmem:s24+$0xFFFFFF90];
	v23 =	vor.u32 $0x4, v11;
	v11 =	vbroadcast v14, $0x0  }
0xa9: {  	v5 =	vadd.s32 v3, v5;
	v25 =	vbroadcast v9, $0x0;
	[tilespmem:v8+s31+$0x0] =	vst.idx.msk $0xffff, v16;
	v8 =	vbroadcast v6, $0x0;
	v26 =	vld [tilespmem:s24+$0x0]  }
.Ltmp5:
0xaa: {  	v5 =	vor.u32 $0x6, v5;
	v12 =	vadd.s32 v10, v7;
	v6 =	vld [tilespmem:s24+$0xFFFFFFB0];
	v9 =	vadd.s32 v3, v11;
	(pc) =	sbr.rel @p0 .LBB2_13-.Ltmp5, $4  }
0xab: {  	v17 =	vor.u32 $0x7, v12;
	v14 =	vadd.s32 v10, v25;
	v11 =	vadd.s32 v10, v11;
	v15 =	vld [tilespmem:s24+$0x60]  }
0xac: {  	v10 =	vadd.s32 v10, v8;
	v14 =	vor.u32 $0x3, v14;
	v12 =	vor.u32 $0x5, v11;
	v13 =	vld [tilespmem:s24+$0xFFFFFFE0];
	[tilespmem:v20+s31+$0x0] =	vst.idx.msk $0xffff, v18  }
0xad: {  	v11 =	vor.u32 $0x2, v10;
	v18 =	vadd.s32 v3, v8;
	v8 =	vor.u32 $0x4, v24;
	[tilespmem:v19+s31+$0x0] =	vst.idx.msk $0xffff, v22;
	v16 =	vld [tilespmem:s24+$0x20]  }
0xae: {  	v20 =	vadd.s32 v3, v21;
	v19 =	vadd.s32 v3, v25;
	s24 =	sadd.s32 $0x100, s24;
	[tilespmem:v23+s31+$0x0] =	vst.idx.msk $0xffff, v26;
	v10 =	vld [tilespmem:s1+$0x50]  }
0xaf: {  	_ =	sdelay $0x3  }
0xb0: {  	v20 =	vor.u32 $0x1, v20;
	[tilespmem:v11+s31+$0x0] =	vst.idx.msk $0xffff, v4  }
0xb1: {  	v57 =	vld [tilespmem:s1+$0x10];
	[tilespmem:v17+s31+$0x0] =	vst.idx.msk $0xffff, v15  }
0xb2: {  	v3 =	vadd.s32 v3, v7;
	v62 =	vor.u32 $0x2, v18;
	v63 =	vld [tilespmem:s1+$0xFFFFFFD0];
	[tilespmem:v14+s31+$0x0] =	vst.idx.msk $0xffff, v13  }
0xb3: {  	v3 =	vor.u32 $0x7, v3;
	v58 =	vld [tilespmem:s1+$0x70];
	[tilespmem:v12+s31+$0x0] =	vst.idx.msk $0xffff, v16  }
0xb4: {  	v60 =	vor.u32 $0x3, v19;
	v61 =	vld [tilespmem:s1+$0xFFFFFFF0];
	[tilespmem:v5+s31+$0x0] =	vst.idx.msk $0xffff, v10  }
0xb5: {  	v9 =	vor.u32 $0x5, v9;
	v59 =	vld [tilespmem:s1+$0x30];
	[tilespmem:v20+s31+$0x0] =	vst.idx.msk $0xffff, v6  }
0xb6: {  	[tilespmem:v8+s31+$0x0] =	vst.idx.msk $0xffff, v57  }
0xb7: {  	[tilespmem:v62+s31+$0x0] =	vst.idx.msk $0xffff, v63  }
0xb8: {  	[tilespmem:v3+s31+$0x0] =	vst.idx.msk $0xffff, v58  }
0xb9: {  	s25 =	sshll.u32 s21, $0x9;
	s2 =	sshll.u32 s21, $0xB;
	[tilespmem:v60+s31+$0x0] =	vst.idx.msk $0xffff, v61  }
0xba: {  	s2 =	sand.u32 $0xFFF0000, s2;
	s1 =	sand.u32 $0x3C00, s25;
	[tilespmem:v9+s31+$0x0] =	vst.idx.msk $0xffff, v59  }
0xbb: {  	s1 =	sor.u32 s2, s1;
	[bflag:$0x0] =	sbarrier.arrive $0xFFFF  }
0xbc: {  	s1 =	sor.u32 $0x200, s1;
	s26 =	rddreg [dreg:$0x1]  }
0xbd: {  	s24 =	simm.s32 $0xC800;
	s7 =	sadd.s32 s26, s1  }
0xbe: {  	s2 =	simm.s32 $0xC888;
	s26 =	simm.s32 $0x10;
	s4 =	sadd.s32 $0x0, s7  }
.LBB2_15:
0xbf: {  	[hbm4b:s4+s3] =	stream.linear.scatter [tilespmem:s24], [sflag:$0x3], $0x80, $0x38;
	[tilespmem:$0x10C00] =	vst v63  }
0xc0: {  	s4 =	smov.u32 s26;
	s24 =	smov.u32 s2;
	p0 =	sne.s32 s26, $0x1F0  }
.Ltmp6:
0xc1: {  	s26 =	sadd.s32 $0x10, s26;
	(pc) =	sbr.rel @p0 .LBB2_15-.Ltmp6, $2  }
0xc2: {  	_ =	sdelay $0x2  }
0xc3: {  	s2 =	sadd.s32 $0x88, s2;
	s4 =	sadd.s32 s4, s7  }
0xc4: {  	[hbm4b:s4+s3] =	stream.linear.scatter [tilespmem:s24], [sflag:$0x3], $0x80, $0x38;
	[tilespmem:$0x10C00] =	vst v63  }
0xc5: {  	s7 =	sadd.s32 s1, s10;
	s24 =	simm.s32 $0xD900  }
0xc6: {  	s26 =	simm.s32 $0x10;
	s2 =	simm.s32 $0xD988;
	s4 =	sadd.s32 $0x0, s7  }
.LBB2_17:
0xc7: {  	[hbm4b:s4+s3] =	stream.linear.scatter [tilespmem:s24], [sflag:$0x3], $0x80, $0x38;
	[tilespmem:$0x10C00] =	vst v63  }
0xc8: {  	s4 =	smov.u32 s26;
	s24 =	smov.u32 s2;
	p0 =	sne.s32 s26, $0x1F0  }
.Ltmp7:
0xc9: {  	s26 =	sadd.s32 $0x10, s26;
	(pc) =	sbr.rel @p0 .LBB2_17-.Ltmp7, $2  }
0xca: {  	_ =	sdelay $0x2  }
0xcb: {  	s2 =	sadd.s32 $0x88, s2;
	s4 =	sadd.s32 s4, s7  }
0xcc: {  	[hbm4b:s4+s3] =	stream.linear.scatter [tilespmem:s24], [sflag:$0x3], $0x80, $0x38;
	[tilespmem:$0x10C00] =	vst v63  }
0xcd: {  	s7 =	sadd.s32 s1, s12;
	s24 =	simm.s32 $0xEA00  }
0xce: {  	s26 =	simm.s32 $0x10;
	s2 =	simm.s32 $0xEA88;
	s4 =	sadd.s32 $0x0, s7  }
.LBB2_19:
0xcf: {  	[hbm4b:s4+s3] =	stream.linear.scatter [tilespmem:s24], [sflag:$0x3], $0x80, $0x38;
	[tilespmem:$0x10C00] =	vst v63  }
0xd0: {  	s4 =	smov.u32 s26;
	s24 =	smov.u32 s2;
	p0 =	sne.s32 s26, $0x1F0  }
.Ltmp8:
0xd1: {  	s26 =	sadd.s32 $0x10, s26;
	(pc) =	sbr.rel @p0 .LBB2_19-.Ltmp8, $2  }
0xd2: {  	_ =	sdelay $0x2  }
0xd3: {  	s2 =	sadd.s32 $0x88, s2;
	s4 =	sadd.s32 s4, s7  }
0xd4: {  	[hbm4b:s4+s3] =	stream.linear.scatter [tilespmem:s24], [sflag:$0x3], $0x80, $0x38;
	[tilespmem:$0x10C00] =	vst v63  }
0xd5: {  	s1 =	sadd.s32 s1, s14;
	s7 =	simm.s32 $0xFB00  }
0xd6: {  	s24 =	simm.s32 $0x10;
	s2 =	simm.s32 $0xFB88;
	s4 =	sadd.s32 $0x0, s1  }
.LBB2_21:
0xd7: {  	[hbm4b:s4+s3] =	stream.linear.scatter [tilespmem:s7], [sflag:$0x3], $0x80, $0x38;
	[tilespmem:$0x10C00] =	vst v63  }
0xd8: {  	s4 =	smov.u32 s24;
	s7 =	smov.u32 s2;
	p0 =	sne.s32 s24, $0x1F0  }
.Ltmp9:
0xd9: {  	s24 =	sadd.s32 $0x10, s24;
	(pc) =	sbr.rel @p0 .LBB2_21-.Ltmp9, $2  }
0xda: {  	_ =	sdelay $0x2  }
0xdb: {  	s2 =	sadd.s32 $0x88, s2;
	s4 =	sadd.s32 s4, s1  }
0xdc: {  	[hbm4b:s4+s3] =	stream.linear.scatter [tilespmem:s7], [sflag:$0x3], $0x80, $0x38;
	[tilespmem:$0x10C00] =	vst v63  }
0xdd: {  	s2 =	simm.s32 $0x1  }
0xde: {  	_ =	swait.ge [sflag:s2], $0x4000  }
0xdf: {  	s1 =	sshll.u32 s21, $0x6;
	[sflag:s2] =	ssyncset.done $0x0;
	s23 =	rddreg [dreg:$0x7]  }
0xe0: {  	s24 =	simm.s32 $0x200;
	[sflag:s2] =	ssyncadd.s32 $0xFFFFC000;
	s1 =	sadd.s32 s1, s23  }
0xe1: {  	[tilespmem:s24], [sflag:$0x4] =	stream.linear.gather [hbm4b:s1+s3], $0x200, $0x38;
	[tilespmem:$0x10C00] =	vst v63  }
0xe2: {  	_ =	swait.ge [sflag:s22], $0x200  }
0xe3: {  	[sflag:s22] =	ssyncset.done $0x0  }
0xe4: {  	s26 =	simm.s32 $0x4400;
	[sflag:s22] =	ssyncadd.s32 $0xFFFFFE00  }
0xe5: {  	[tilespmem:s26], [sflag:$0x2] =	stream.indirect.gather [hbm4b:s5+s24], $0x20, s24, s24, $0xb8;
	[tilespmem:$0x10C00] =	vst v63  }
0xe6: {  	_ =	swait.ge [sflag:s30], $0x1000  }
0xe7: {  	s7 =	simm.s32 $0x0;
	[sflag:s30] =	ssyncset.done $0x0  }
0xe8: {  	s4 =	sand.u32 $0x78, s7;
	[sflag:s30] =	ssyncadd.s32 $0xFFFFF000  }
0xe9: {  	s16 =	simm.s32 $0x1;
	s21 =	simm.s32 $0x4;
	v4 =	vmov s4;
	_ =	swait.ge [sflag:s30], $0x1000  }
0xea: {  	s4 =	simm.s32 $0x3;
	s2 =	simm.s32 $0x0;
	v4 =	vshrl.u32 v4, $0x3;
	[sflag:s30] =	ssyncset.done $0x0  }
0xeb: {  	s23 =	sand.u32 $0x78, s16;
	v3 =	vmov s2;
	s1 =	sand.u32 $0x78, s21;
	v4 =	vshll.u32 v4, v1;
	[sflag:s30] =	ssyncadd.s32 $0xFFFFF000  }
0xec: {  	v6 =	vmov s23;
	s21 =	sand.u32 $0x78, s4;
	v3 =	vmul.u32 $0x440, v3;
	v7 =	vmov s1;
	_ =	swait.ge [sflag:s30], $0x1000  }
0xed: {  	v4 =	vbroadcast v4, $0x0;
	v6 =	vshrl.u32 v6, $0x3;
	v8 =	vmov s21;
	[sflag:s30] =	ssyncset.done $0x0  }
0xee: {  	s6 =	simm.s32 $0x7;
	s23 =	simm.s32 $0x2;
	v6 =	vshll.u32 v6, v1;
	v8 =	vshrl.u32 v8, $0x3;
	v3 =	vbroadcast v3, $0x0;
	[sflag:s30] =	ssyncadd.s32 $0xFFFFF000  }
0xef: {  	v19 =	vbroadcast v6, $0x0;
	v6 =	vshrl.u32 v7, $0x3;
	v8 =	vshll.u32 v8, v1;
	s24 =	sand.u32 $0x78, s6;
	s26 =	simm.s32 $0x6;
	_ =	swait.ge [sflag:s30], $0x1000  }
0xf0: {  	v5 =	vmov s24;
	s16 =	sand.u32 $0x78, s26;
	s24 =	sand.u32 $0x78, s23;
	v10 =	vadd.s32 v0, v3;
	v3 =	vadd.s32 v2, v3;
	[sflag:s30] =	ssyncset.done $0x0  }
0xf1: {  	s1 =	simm.s32 $0x480;
	v9 =	vmov s16;
	v5 =	vshrl.u32 v5, $0x3;
	v11 =	vmov s24;
	[sflag:s30] =	ssyncadd.s32 $0xFFFFF000  }
0xf2: {  	v16 =	vadd.s32 v4, v3;
	v13 =	vadd.s32 v4, v10;
	v9 =	vshrl.u32 v9, $0x3;
	v12 =	vld [tilespmem:s1+$0xFFFFFF80]  }
0xf3: {  	s26 =	simm.s32 $0x5;
	v4 =	vshll.u32 v6, v1;
	v7 =	vadd.s32 v10, v19;
	v6 =	vshll.u32 v9, v1  }
0xf4: {  	s2 =	sand.u32 $0x78, s26;
	v5 =	vshll.u32 v5, v1;
	v15 =	vor.u32 $0x1, v7;
	v6 =	vbroadcast v6, $0x0  }
0xf5: {  	v11 =	vshrl.u32 v11, $0x3;
	v17 =	vbroadcast v4, $0x0;
	v9 =	vmov s2;
	v14 =	vld [tilespmem:s1+$0xFFFFFFA0]  }
0xf6: {  	v7 =	vbroadcast v5, $0x0;
	v5 =	vshll.u32 v11, v1;
	v11 =	vadd.s32 v10, v6;
	v4 =	vld [tilespmem:s1+$0xFFFFFFC0]  }
0xf7: {  	v23 =	vbroadcast v8, $0x0;
	v9 =	vshrl.u32 v9, $0x3;
	v11 =	vor.u32 $0x6, v11;
	v18 =	vld [tilespmem:s1+$0x40];
	[tilespmem:v13+s28+$0x0] =	vst.idx.msk $0xffff, v12  }
0xf8: {  	v22 =	vadd.s32 v3, v17;
	v25 =	vbroadcast v5, $0x0;
	v12 =	vadd.s32 v10, v17;
	v20 =	vld [tilespmem:s1+$0xFFFFFF90]  }
0xf9: {  	v9 =	vshll.u32 v9, v1;
	v8 =	vadd.s32 v3, v6;
	v24 =	vld [tilespmem:s1+$0x0];
	v21 =	vor.u32 $0x4, v12  }
0xfa: {  	v5 =	vor.u32 $0x6, v8;
	v8 =	vadd.s32 v10, v7;
	[tilespmem:v15+s28+$0x0] =	vst.idx.msk $0xffff, v14;
	v14 =	vadd.s32 v10, v23;
	v15 =	vld [tilespmem:s1+$0x60]  }
0xfb: {  	v17 =	vor.u32 $0x7, v8;
	v8 =	vadd.s32 v10, v25;
	v13 =	vld [tilespmem:s1+$0xFFFFFFE0];
	v12 =	vbroadcast v9, $0x0  }
0xfc: {  	[tilespmem:v11+s28+$0x0] =	vst.idx.msk $0xffff, v18;
	v18 =	vadd.s32 v3, v25;
	v6 =	vld [tilespmem:s1+$0xFFFFFFB0];
	v14 =	vor.u32 $0x3, v14;
	v11 =	vor.u32 $0x2, v8  }
0xfd: {  	v8 =	vor.u32 $0x4, v22;
	v9 =	vadd.s32 v3, v12;
	v12 =	vadd.s32 v10, v12;
	v10 =	vld [tilespmem:s1+$0x50];
	[tilespmem:v16+s28+$0x0] =	vst.idx.msk $0xffff, v20  }
0xfe: {  	s25 =	simm.s32 $0x200;
	s21 =	simm.s32 $0x580;
	v12 =	vor.u32 $0x5, v12;
	v16 =	vld [tilespmem:s1+$0x20];
	v20 =	vadd.s32 v3, v19;
	v19 =	vadd.s32 v3, v23;
	[tilespmem:v21+s28+$0x0] =	vst.idx.msk $0xffff, v24  }
.LBB2_23:
0xff: {  	s2 =	sadd.s32 $0x9, s7  }
0x100: {  	s4 =	sadd.s32 $0xF, s7;
	v20 =	vor.u32 $0x1, v20;
	v21 =	vld [tilespmem:s1+$0x10];
	v3 =	vadd.s32 v3, v7;
	s6 =	smov.u32 s7;
	s7 =	sadd.s32 $0x8, s7  }
0x101: {  	v7 =	vor.u32 $0x2, v18;
	v18 =	vor.u32 $0x3, v19;
	s16 =	sshrl.u32 s7, $0x7;
	s23 =	sand.u32 $0x78, s7;
	s24 =	sadd.s32 $0xC, s6;
	[tilespmem:v17+s28+$0x0] =	vst.idx.msk $0xffff, v15;
	v15 =	vor.u32 $0x7, v3  }
0x102: {  	v9 =	vor.u32 $0x5, v9;
	s2 =	sand.u32 $0x78, s2;
	s4 =	sand.u32 $0x78, s4;
	v3 =	vmov s16;
	v17 =	vmov s23;
	s16 =	sadd.s32 $0xE, s6;
	[tilespmem:v14+s28+$0x0] =	vst.idx.msk $0xffff, v13  }
0x103: {  	s23 =	sand.u32 $0x78, s24;
	s24 =	sadd.s32 $0xD, s6;
	v14 =	vmov s4;
	v13 =	vshrl.u32 v17, $0x3;
	v3 =	vmul.u32 $0x440, v3;
	s16 =	sand.u32 $0x78, s16;
	[tilespmem:v12+s28+$0x0] =	vst.idx.msk $0xffff, v16;
	v12 =	vld [tilespmem:s1+$0x70]  }
0x104: {  	s4 =	sadd.s32 $0xB, s6;
	v16 =	vmov s2;
	s2 =	sadd.s32 $0xA, s6;
	v17 =	vmov s23;
	s6 =	sand.u32 $0x78, s24;
	v13 =	vshll.u32 v13, v1;
	[tilespmem:v11+s28+$0x0] =	vst.idx.msk $0xffff, v4;
	v4 =	vld [tilespmem:s1+$0x30]  }
0x105: {  	p0 =	slt.u32 s7, $0x1F8;
	s4 =	sand.u32 $0x78, s4;
	s2 =	sand.u32 $0x78, s2;
	v3 =	vbroadcast v3, $0x0;
	v11 =	vbroadcast v13, $0x0;
	v13 =	vshrl.u32 v16, $0x3;
	[tilespmem:v20+s28+$0x0] =	vst.idx.msk $0xffff, v6;
	v6 =	vld [tilespmem:s1+$0xFFFFFFD0]  }
0x106: {  	v14 =	vshrl.u32 v14, $0x3;
	v19 =	vmov s16;
	v16 =	vmov s4;
	v20 =	vld [tilespmem:s1+$0xFFFFFFF0];
	[tilespmem:v5+s28+$0x0] =	vst.idx.msk $0xffff, v10;
	s1 =	smov.u32 s21  }
0x107: {  	v5 =	vshrl.u32 v19, $0x3;
	v10 =	vadd.s32 v0, v3;
	v3 =	vadd.s32 v2, v3;
	[tilespmem:v8+s28+$0x0] =	vst.idx.msk $0xffff, v21  }
0x108: {  	v14 =	vshll.u32 v14, v1;
	v8 =	vshll.u32 v13, v1;
	v13 =	vmov s2;
	[tilespmem:v15+s28+$0x0] =	vst.idx.msk $0xffff, v12  }
0x109: {  	v19 =	vadd.s32 v11, v3;
	v21 =	vbroadcast v8, $0x0;
	v8 =	vshrl.u32 v17, $0x3;
	[tilespmem:v9+s28+$0x0] =	vst.idx.msk $0xffff, v4  }
0x10a: {  	v5 =	vshll.u32 v5, v1;
	v11 =	vadd.s32 v11, v10;
	v4 =	vshll.u32 v8, v1;
	v9 =	vld [tilespmem:s21+$0xFFFFFF80]  }
0x10b: {  	v12 =	vshrl.u32 v16, $0x3;
	v15 =	vmov s6;
	v8 =	vadd.s32 v10, v21;
	[tilespmem:v18+s28+$0x0] =	vst.idx.msk $0xffff, v20  }
0x10c: {  	v5 =	vbroadcast v5, $0x0;
	v15 =	vshrl.u32 v15, $0x3;
	v8 =	vor.u32 $0x1, v8;
	v16 =	vld [tilespmem:s21+$0xFFFFFFA0];
	[tilespmem:v7+s28+$0x0] =	vst.idx.msk $0xffff, v6  }
0x10d: {  	v6 =	vshrl.u32 v13, $0x3;
	v13 =	vbroadcast v4, $0x0;
	v7 =	vbroadcast v14, $0x0  }
0x10e: {  	v14 =	vshll.u32 v15, v1;
	v15 =	vadd.s32 v10, v5;
	v6 =	vshll.u32 v6, v1;
	v4 =	vld [tilespmem:s21+$0xFFFFFFC0]  }
0x10f: {  	v20 =	vor.u32 $0x6, v15;
	[tilespmem:v11+s28+$0x0] =	vst.idx.msk $0xffff, v9;
	v9 =	vshll.u32 v12, v1;
	v11 =	vadd.s32 v10, v13;
	v18 =	vld [tilespmem:s21+$0x40]  }
0x110: {  	v24 =	vadd.s32 v3, v13;
	v22 =	vld [tilespmem:s21+$0xFFFFFF90];
	v23 =	vor.u32 $0x4, v11;
	v11 =	vbroadcast v14, $0x0  }
0x111: {  	v5 =	vadd.s32 v3, v5;
	v25 =	vbroadcast v9, $0x0;
	[tilespmem:v8+s28+$0x0] =	vst.idx.msk $0xffff, v16;
	v8 =	vbroadcast v6, $0x0;
	v26 =	vld [tilespmem:s21+$0x0]  }
.Ltmp10:
0x112: {  	v5 =	vor.u32 $0x6, v5;
	v12 =	vadd.s32 v10, v7;
	v6 =	vld [tilespmem:s21+$0xFFFFFFB0];
	v9 =	vadd.s32 v3, v11;
	(pc) =	sbr.rel @p0 .LBB2_23-.Ltmp10, $4  }
0x113: {  	v17 =	vor.u32 $0x7, v12;
	v14 =	vadd.s32 v10, v25;
	v11 =	vadd.s32 v10, v11;
	v15 =	vld [tilespmem:s21+$0x60]  }
0x114: {  	v10 =	vadd.s32 v10, v8;
	v14 =	vor.u32 $0x3, v14;
	v12 =	vor.u32 $0x5, v11;
	v13 =	vld [tilespmem:s21+$0xFFFFFFE0];
	[tilespmem:v20+s28+$0x0] =	vst.idx.msk $0xffff, v18  }
0x115: {  	v11 =	vor.u32 $0x2, v10;
	v18 =	vadd.s32 v3, v8;
	v8 =	vor.u32 $0x4, v24;
	[tilespmem:v19+s28+$0x0] =	vst.idx.msk $0xffff, v22;
	v16 =	vld [tilespmem:s21+$0x20]  }
0x116: {  	v20 =	vadd.s32 v3, v21;
	v19 =	vadd.s32 v3, v25;
	s21 =	sadd.s32 $0x100, s21;
	[tilespmem:v23+s28+$0x0] =	vst.idx.msk $0xffff, v26;
	v10 =	vld [tilespmem:s1+$0x50]  }
0x117: {  	_ =	sdelay $0x3  }
0x118: {  	v20 =	vor.u32 $0x1, v20;
	[tilespmem:v11+s28+$0x0] =	vst.idx.msk $0xffff, v4  }
0x119: {  	v57 =	vld [tilespmem:s1+$0x10];
	[tilespmem:v17+s28+$0x0] =	vst.idx.msk $0xffff, v15  }
0x11a: {  	v3 =	vadd.s32 v3, v7;
	v62 =	vor.u32 $0x2, v18;
	v63 =	vld [tilespmem:s1+$0xFFFFFFD0];
	[tilespmem:v14+s28+$0x0] =	vst.idx.msk $0xffff, v13  }
0x11b: {  	v3 =	vor.u32 $0x7, v3;
	v58 =	vld [tilespmem:s1+$0x70];
	[tilespmem:v12+s28+$0x0] =	vst.idx.msk $0xffff, v16  }
0x11c: {  	v60 =	vor.u32 $0x3, v19;
	v61 =	vld [tilespmem:s1+$0xFFFFFFF0];
	[tilespmem:v5+s28+$0x0] =	vst.idx.msk $0xffff, v10  }
0x11d: {  	v9 =	vor.u32 $0x5, v9;
	v59 =	vld [tilespmem:s1+$0x30];
	[tilespmem:v20+s28+$0x0] =	vst.idx.msk $0xffff, v6  }
0x11e: {  	[tilespmem:v8+s28+$0x0] =	vst.idx.msk $0xffff, v57  }
0x11f: {  	[tilespmem:v62+s28+$0x0] =	vst.idx.msk $0xffff, v63  }
0x120: {  	[tilespmem:v3+s28+$0x0] =	vst.idx.msk $0xffff, v58  }
0x121: {  	[tilespmem:v60+s28+$0x0] =	vst.idx.msk $0xffff, v61  }
0x122: {  	s24 =	sshll.u32 s8, $0x9;
	s2 =	sshll.u32 s8, $0xB;
	[tilespmem:v9+s28+$0x0] =	vst.idx.msk $0xffff, v59  }
0x123: {  	s2 =	sand.u32 $0xFFF0000, s2;
	s1 =	sand.u32 $0x3C00, s24;
	[bflag:$0x0] =	sbarrier.arrive $0xFFFF  }
0x124: {  	s1 =	sor.u32 s1, s2;
	s26 =	rddreg [dreg:$0x1]  }
0x125: {  	s8 =	simm.s32 $0x8400;
	s7 =	sadd.s32 s26, s1  }
0x126: {  	s21 =	simm.s32 $0x10;
	s2 =	simm.s32 $0x8488;
	s4 =	sadd.s32 $0x0, s7  }
.LBB2_25:
0x127: {  	[hbm4b:s4+s3] =	stream.linear.scatter [tilespmem:s8], [sflag:$0x3], $0x80, $0x38;
	[tilespmem:$0x10C00] =	vst v63  }
0x128: {  	s4 =	smov.u32 s21;
	s8 =	smov.u32 s2;
	p0 =	sne.s32 s21, $0x1F0  }
.Ltmp11:
0x129: {  	s21 =	sadd.s32 $0x10, s21;
	(pc) =	sbr.rel @p0 .LBB2_25-.Ltmp11, $2  }
0x12a: {  	_ =	sdelay $0x2  }
0x12b: {  	s2 =	sadd.s32 $0x88, s2;
	s4 =	sadd.s32 s4, s7  }
0x12c: {  	[hbm4b:s4+s3] =	stream.linear.scatter [tilespmem:s8], [sflag:$0x3], $0x80, $0x38;
	[tilespmem:$0x10C00] =	vst v63  }
0x12d: {  	s7 =	sadd.s32 s1, s10;
	s8 =	simm.s32 $0x9500  }
0x12e: {  	s21 =	simm.s32 $0x10;
	s2 =	simm.s32 $0x9588;
	s4 =	sadd.s32 $0x0, s7  }
.LBB2_27:
0x12f: {  	[hbm4b:s4+s3] =	stream.linear.scatter [tilespmem:s8], [sflag:$0x3], $0x80, $0x38;
	[tilespmem:$0x10C00] =	vst v63  }
0x130: {  	s4 =	smov.u32 s21;
	s8 =	smov.u32 s2;
	p0 =	sne.s32 s21, $0x1F0  }
.Ltmp12:
0x131: {  	s21 =	sadd.s32 $0x10, s21;
	(pc) =	sbr.rel @p0 .LBB2_27-.Ltmp12, $2  }
0x132: {  	_ =	sdelay $0x2  }
0x133: {  	s2 =	sadd.s32 $0x88, s2;
	s4 =	sadd.s32 s4, s7  }
0x134: {  	[hbm4b:s4+s3] =	stream.linear.scatter [tilespmem:s8], [sflag:$0x3], $0x80, $0x38;
	[tilespmem:$0x10C00] =	vst v63  }
0x135: {  	s7 =	sadd.s32 s1, s12;
	s8 =	simm.s32 $0xA600  }
0x136: {  	s21 =	simm.s32 $0x10;
	s2 =	simm.s32 $0xA688;
	s4 =	sadd.s32 $0x0, s7  }
.LBB2_29:
0x137: {  	[hbm4b:s4+s3] =	stream.linear.scatter [tilespmem:s8], [sflag:$0x3], $0x80, $0x38;
	[tilespmem:$0x10C00] =	vst v63  }
0x138: {  	s4 =	smov.u32 s21;
	s8 =	smov.u32 s2;
	p0 =	sne.s32 s21, $0x1F0  }
.Ltmp13:
0x139: {  	s21 =	sadd.s32 $0x10, s21;
	(pc) =	sbr.rel @p0 .LBB2_29-.Ltmp13, $2  }
0x13a: {  	_ =	sdelay $0x2  }
0x13b: {  	s2 =	sadd.s32 $0x88, s2;
	s4 =	sadd.s32 s4, s7  }
0x13c: {  	[hbm4b:s4+s3] =	stream.linear.scatter [tilespmem:s8], [sflag:$0x3], $0x80, $0x38;
	[tilespmem:$0x10C00] =	vst v63  }
0x13d: {  	s1 =	sadd.s32 s1, s14;
	s7 =	simm.s32 $0xB700  }
0x13e: {  	s8 =	simm.s32 $0x10;
	s2 =	simm.s32 $0xB788;
	s4 =	sadd.s32 $0x0, s1  }
.LBB2_31:
0x13f: {  	[hbm4b:s4+s3] =	stream.linear.scatter [tilespmem:s7], [sflag:$0x3], $0x80, $0x38;
	[tilespmem:$0x10C00] =	vst v63  }
0x140: {  	s4 =	smov.u32 s8;
	s7 =	smov.u32 s2;
	p0 =	sne.s32 s8, $0x1F0  }
.Ltmp14:
0x141: {  	s8 =	sadd.s32 $0x10, s8;
	(pc) =	sbr.rel @p0 .LBB2_31-.Ltmp14, $2  }
0x142: {  	_ =	sdelay $0x2  }
0x143: {  	s2 =	sadd.s32 $0x88, s2;
	s4 =	sadd.s32 s4, s1  }
0x144: {  	s0 =	sadd.s32 $0x1, s0  }
0x145: {  	p0 =	sne.s32 s0, $0x18  }
.Ltmp15:
0x146: {  	_ = 	snop;
	(pc) =	sbr.rel @p0 .LBB2_12-.Ltmp15, $2  }
0x147: {  	_ =	sdelay $0x2  }
0x148: {  	[hbm4b:s4+s3] =	stream.linear.scatter [tilespmem:s7], [sflag:$0x3], $0x80, $0x38;
	[tilespmem:$0x10C00] =	vst v63  }
0x149: {  	_ =	swait.ge [sflag:s29], $0x4000  }
0x14a: {  	[sflag:s29] =	ssyncset.done $0x0  }
0x14b: {  	s0 =	simm.s32 $0x0;
	[sflag:s29] =	ssyncadd.s32 $0xFFFFC000  }
0x14c: {  	s1 =	simm.s32 $0x0;
	s4 =	simm.s32 $0x1;
	_ =	swait.ge [sflag:s30], $0x1000  }
0x14d: {  	s6 =	simm.s32 $0x7;
	s25 =	simm.s32 $0x4;
	[sflag:s30] =	ssyncset.done $0x0  }
0x14e: {  	s8 =	simm.s32 $0x6;
	s16 =	simm.s32 $0x3;
	[sflag:s30] =	ssyncadd.s32 $0xFFFFF000  }
0x14f: {  	s24 =	simm.s32 $0x2;
	s2 =	sand.u32 $0x78, s0;
	_ =	swait.ge [sflag:s30], $0x1000  }
0x150: {  	v3 =	vmov s1;
	s26 =	sand.u32 $0x78, s4;
	s7 =	sand.u32 $0x78, s6;
	[sflag:s30] =	ssyncset.done $0x0  }
0x151: {  	s1 =	sand.u32 $0x78, s25;
	s23 =	sand.u32 $0x78, s16;
	v4 =	vmov s2;
	v3 =	vmul.u32 $0x440, v3;
	v5 =	vmov s7;
	[sflag:s30] =	ssyncadd.s32 $0xFFFFF000  }
0x152: {  	s21 =	sand.u32 $0x78, s8;
	s25 =	sand.u32 $0x78, s24;
	v6 =	vmov s26;
	v7 =	vmov s1;
	v8 =	vmov s23;
	_ =	swait.ge [sflag:s30], $0x1000  }
0x153: {  	v9 =	vmov s21;
	v11 =	vmov s25;
	v4 =	vshrl.u32 v4, $0x3;
	[sflag:s30] =	ssyncset.done $0x0  }
0x154: {  	v6 =	vshrl.u32 v6, $0x3;
	v5 =	vshrl.u32 v5, $0x3;
	v9 =	vshrl.u32 v9, $0x3;
	[sflag:s30] =	ssyncadd.s32 $0xFFFFF000  }
0x155: {  	v8 =	vshrl.u32 v8, $0x3;
	v4 =	vshll.u32 v4, v1;
	v3 =	vbroadcast v3, $0x0;
	_ =	swait.ge [sflag:s30], $0x1000  }
0x156: {  	v11 =	vshrl.u32 v11, $0x3;
	v6 =	vshll.u32 v6, v1;
	v4 =	vbroadcast v4, $0x0;
	[sflag:s30] =	ssyncset.done $0x0  }
0x157: {  	s1 =	simm.s32 $0x4480;
	v5 =	vshll.u32 v5, v1;
	v19 =	vbroadcast v6, $0x0;
	v10 =	vadd.s32 v0, v3;
	[sflag:s30] =	ssyncadd.s32 $0xFFFFF000  }
0x158: {  	v6 =	vshrl.u32 v7, $0x3;
	v3 =	vadd.s32 v2, v3;
	v13 =	vadd.s32 v4, v10;
	v12 =	vld [tilespmem:s1+$0xFFFFFF80]  }
0x159: {  	s26 =	simm.s32 $0x5;
	v16 =	vadd.s32 v4, v3;
	v4 =	vshll.u32 v6, v1;
	v6 =	vshll.u32 v9, v1  }
0x15a: {  	s2 =	sand.u32 $0x78, s26;
	v8 =	vshll.u32 v8, v1;
	v7 =	vadd.s32 v10, v19;
	v6 =	vbroadcast v6, $0x0  }
0x15b: {  	v9 =	vmov s2;
	v15 =	vor.u32 $0x1, v7;
	v17 =	vbroadcast v4, $0x0;
	v14 =	vld [tilespmem:s1+$0xFFFFFFA0]  }
0x15c: {  	v7 =	vbroadcast v5, $0x0;
	v5 =	vshll.u32 v11, v1;
	v11 =	vadd.s32 v10, v6;
	v4 =	vld [tilespmem:s1+$0xFFFFFFC0]  }
0x15d: {  	v23 =	vbroadcast v8, $0x0;
	v9 =	vshrl.u32 v9, $0x3;
	v11 =	vor.u32 $0x6, v11;
	v18 =	vld [tilespmem:s1+$0x40];
	[tilespmem:v13+s31+$0x0] =	vst.idx.msk $0xffff, v12  }
0x15e: {  	v9 =	vshll.u32 v9, v1;
	v25 =	vbroadcast v5, $0x0;
	v12 =	vadd.s32 v10, v17;
	v20 =	vld [tilespmem:s1+$0xFFFFFF90]  }
0x15f: {  	v22 =	vadd.s32 v3, v17;
	v8 =	vadd.s32 v3, v6;
	v24 =	vld [tilespmem:s1+$0x0];
	v21 =	vor.u32 $0x4, v12  }
0x160: {  	v5 =	vor.u32 $0x6, v8;
	v8 =	vadd.s32 v10, v7;
	[tilespmem:v15+s31+$0x0] =	vst.idx.msk $0xffff, v14;
	v14 =	vadd.s32 v10, v23;
	v15 =	vld [tilespmem:s1+$0x60]  }
0x161: {  	v17 =	vor.u32 $0x7, v8;
	v8 =	vadd.s32 v10, v25;
	v13 =	vld [tilespmem:s1+$0xFFFFFFE0];
	v12 =	vbroadcast v9, $0x0  }
0x162: {  	[tilespmem:v11+s31+$0x0] =	vst.idx.msk $0xffff, v18;
	v18 =	vadd.s32 v3, v25;
	v6 =	vld [tilespmem:s1+$0xFFFFFFB0];
	v14 =	vor.u32 $0x3, v14;
	v11 =	vor.u32 $0x2, v8  }
0x163: {  	v8 =	vor.u32 $0x4, v22;
	v9 =	vadd.s32 v3, v12;
	v12 =	vadd.s32 v10, v12;
	v10 =	vld [tilespmem:s1+$0x50];
	[tilespmem:v16+s31+$0x0] =	vst.idx.msk $0xffff, v20  }
0x164: {  	s7 =	simm.s32 $0x4580;
	v12 =	vor.u32 $0x5, v12;
	v16 =	vld [tilespmem:s1+$0x20];
	v20 =	vadd.s32 v3, v19;
	v19 =	vadd.s32 v3, v23;
	[tilespmem:v21+s31+$0x0] =	vst.idx.msk $0xffff, v24  }
.LBB2_34:
0x165: {  	s2 =	sadd.s32 $0x9, s0  }
0x166: {  	s4 =	sadd.s32 $0xF, s0;
	v20 =	vor.u32 $0x1, v20;
	v21 =	vld [tilespmem:s1+$0x10];
	v3 =	vadd.s32 v3, v7;
	s6 =	smov.u32 s0;
	s0 =	sadd.s32 $0x8, s0  }
0x167: {  	v7 =	vor.u32 $0x2, v18;
	v18 =	vor.u32 $0x3, v19;
	s8 =	sshrl.u32 s0, $0x7;
	s16 =	sand.u32 $0x78, s0;
	s21 =	sadd.s32 $0xC, s6;
	[tilespmem:v17+s31+$0x0] =	vst.idx.msk $0xffff, v15;
	v15 =	vor.u32 $0x7, v3  }
0x168: {  	v9 =	vor.u32 $0x5, v9;
	s2 =	sand.u32 $0x78, s2;
	s4 =	sand.u32 $0x78, s4;
	v3 =	vmov s8;
	v17 =	vmov s16;
	s8 =	sadd.s32 $0xE, s6;
	[tilespmem:v14+s31+$0x0] =	vst.idx.msk $0xffff, v13  }
0x169: {  	s16 =	sand.u32 $0x78, s21;
	s21 =	sadd.s32 $0xD, s6;
	v14 =	vmov s4;
	v13 =	vshrl.u32 v17, $0x3;
	v3 =	vmul.u32 $0x440, v3;
	s8 =	sand.u32 $0x78, s8;
	[tilespmem:v12+s31+$0x0] =	vst.idx.msk $0xffff, v16;
	v12 =	vld [tilespmem:s1+$0x70]  }
0x16a: {  	s4 =	sadd.s32 $0xB, s6;
	v16 =	vmov s2;
	s2 =	sadd.s32 $0xA, s6;
	v17 =	vmov s16;
	s6 =	sand.u32 $0x78, s21;
	v13 =	vshll.u32 v13, v1;
	[tilespmem:v11+s31+$0x0] =	vst.idx.msk $0xffff, v4;
	v4 =	vld [tilespmem:s1+$0x30]  }
0x16b: {  	p0 =	slt.u32 s0, $0x1F8;
	s4 =	sand.u32 $0x78, s4;
	s2 =	sand.u32 $0x78, s2;
	v3 =	vbroadcast v3, $0x0;
	v11 =	vbroadcast v13, $0x0;
	v13 =	vshrl.u32 v16, $0x3;
	[tilespmem:v20+s31+$0x0] =	vst.idx.msk $0xffff, v6;
	v6 =	vld [tilespmem:s1+$0xFFFFFFD0]  }
0x16c: {  	v14 =	vshrl.u32 v14, $0x3;
	v19 =	vmov s8;
	v16 =	vmov s4;
	v20 =	vld [tilespmem:s1+$0xFFFFFFF0];
	[tilespmem:v5+s31+$0x0] =	vst.idx.msk $0xffff, v10;
	s1 =	smov.u32 s7  }
0x16d: {  	v5 =	vshrl.u32 v19, $0x3;
	v10 =	vadd.s32 v0, v3;
	v3 =	vadd.s32 v2, v3;
	[tilespmem:v8+s31+$0x0] =	vst.idx.msk $0xffff, v21  }
0x16e: {  	v14 =	vshll.u32 v14, v1;
	v8 =	vshll.u32 v13, v1;
	v13 =	vmov s2;
	[tilespmem:v15+s31+$0x0] =	vst.idx.msk $0xffff, v12  }
0x16f: {  	v19 =	vadd.s32 v11, v3;
	v21 =	vbroadcast v8, $0x0;
	v8 =	vshrl.u32 v17, $0x3;
	[tilespmem:v9+s31+$0x0] =	vst.idx.msk $0xffff, v4  }
0x170: {  	v5 =	vshll.u32 v5, v1;
	v11 =	vadd.s32 v11, v10;
	v4 =	vshll.u32 v8, v1;
	v9 =	vld [tilespmem:s7+$0xFFFFFF80]  }
0x171: {  	v12 =	vshrl.u32 v16, $0x3;
	v15 =	vmov s6;
	v8 =	vadd.s32 v10, v21;
	[tilespmem:v18+s31+$0x0] =	vst.idx.msk $0xffff, v20  }
0x172: {  	v5 =	vbroadcast v5, $0x0;
	v15 =	vshrl.u32 v15, $0x3;
	v8 =	vor.u32 $0x1, v8;
	v16 =	vld [tilespmem:s7+$0xFFFFFFA0];
	[tilespmem:v7+s31+$0x0] =	vst.idx.msk $0xffff, v6  }
0x173: {  	v6 =	vshrl.u32 v13, $0x3;
	v13 =	vbroadcast v4, $0x0;
	v7 =	vbroadcast v14, $0x0  }
0x174: {  	v14 =	vshll.u32 v15, v1;
	v15 =	vadd.s32 v10, v5;
	v6 =	vshll.u32 v6, v1;
	v4 =	vld [tilespmem:s7+$0xFFFFFFC0]  }
0x175: {  	v20 =	vor.u32 $0x6, v15;
	[tilespmem:v11+s31+$0x0] =	vst.idx.msk $0xffff, v9;
	v9 =	vshll.u32 v12, v1;
	v11 =	vadd.s32 v10, v13;
	v18 =	vld [tilespmem:s7+$0x40]  }
0x176: {  	v24 =	vadd.s32 v3, v13;
	v22 =	vld [tilespmem:s7+$0xFFFFFF90];
	v23 =	vor.u32 $0x4, v11;
	v11 =	vbroadcast v14, $0x0  }
0x177: {  	v5 =	vadd.s32 v3, v5;
	v25 =	vbroadcast v9, $0x0;
	[tilespmem:v8+s31+$0x0] =	vst.idx.msk $0xffff, v16;
	v8 =	vbroadcast v6, $0x0;
	v26 =	vld [tilespmem:s7+$0x0]  }
.Ltmp16:
0x178: {  	v5 =	vor.u32 $0x6, v5;
	v12 =	vadd.s32 v10, v7;
	v6 =	vld [tilespmem:s7+$0xFFFFFFB0];
	v9 =	vadd.s32 v3, v11;
	(pc) =	sbr.rel @p0 .LBB2_34-.Ltmp16, $4  }
0x179: {  	v17 =	vor.u32 $0x7, v12;
	v14 =	vadd.s32 v10, v25;
	v11 =	vadd.s32 v10, v11;
	v15 =	vld [tilespmem:s7+$0x60]  }
0x17a: {  	v10 =	vadd.s32 v10, v8;
	v14 =	vor.u32 $0x3, v14;
	v12 =	vor.u32 $0x5, v11;
	v13 =	vld [tilespmem:s7+$0xFFFFFFE0];
	[tilespmem:v20+s31+$0x0] =	vst.idx.msk $0xffff, v18  }
0x17b: {  	v11 =	vor.u32 $0x2, v10;
	v18 =	vadd.s32 v3, v8;
	v8 =	vor.u32 $0x4, v24;
	[tilespmem:v19+s31+$0x0] =	vst.idx.msk $0xffff, v22;
	v16 =	vld [tilespmem:s7+$0x20]  }
0x17c: {  	v20 =	vadd.s32 v3, v21;
	v19 =	vadd.s32 v3, v25;
	s7 =	sadd.s32 $0x100, s7;
	[tilespmem:v23+s31+$0x0] =	vst.idx.msk $0xffff, v26;
	v10 =	vld [tilespmem:s1+$0x50]  }
0x17d: {  	_ =	sdelay $0x3  }
0x17e: {  	v20 =	vor.u32 $0x1, v20;
	[tilespmem:v11+s31+$0x0] =	vst.idx.msk $0xffff, v4  }
0x17f: {  	v57 =	vld [tilespmem:s1+$0x10];
	[tilespmem:v17+s31+$0x0] =	vst.idx.msk $0xffff, v15  }
0x180: {  	v3 =	vadd.s32 v3, v7;
	v62 =	vor.u32 $0x2, v18;
	v63 =	vld [tilespmem:s1+$0xFFFFFFD0];
	[tilespmem:v14+s31+$0x0] =	vst.idx.msk $0xffff, v13  }
0x181: {  	v3 =	vor.u32 $0x7, v3;
	v58 =	vld [tilespmem:s1+$0x70];
	[tilespmem:v12+s31+$0x0] =	vst.idx.msk $0xffff, v16  }
0x182: {  	v60 =	vor.u32 $0x3, v19;
	v61 =	vld [tilespmem:s1+$0xFFFFFFF0];
	[tilespmem:v5+s31+$0x0] =	vst.idx.msk $0xffff, v10  }
0x183: {  	v9 =	vor.u32 $0x5, v9;
	v59 =	vld [tilespmem:s1+$0x30];
	[tilespmem:v20+s31+$0x0] =	vst.idx.msk $0xffff, v6  }
0x184: {  	[tilespmem:v8+s31+$0x0] =	vst.idx.msk $0xffff, v57  }
0x185: {  	[tilespmem:v62+s31+$0x0] =	vst.idx.msk $0xffff, v63  }
0x186: {  	[tilespmem:v3+s31+$0x0] =	vst.idx.msk $0xffff, v58  }
0x187: {  	[tilespmem:v60+s31+$0x0] =	vst.idx.msk $0xffff, v61  }
0x188: {  	s0 =	simm.s32 $0xC800;
	s4 =	sadd.s32 $0x0, s17;
	[tilespmem:v9+s31+$0x0] =	vst.idx.msk $0xffff, v59  }
0x189: {  	s2 =	simm.s32 $0xC888;
	s1 =	simm.s32 $0x10;
	[bflag:$0x0] =	sbarrier.arrive $0xFFFF  }
.LBB2_36:
0x18a: {  	[hbm4b:s4+s3] =	stream.linear.scatter [tilespmem:s0], [sflag:$0x3], $0x80, $0x38;
	[tilespmem:$0x10C00] =	vst v63  }
0x18b: {  	s4 =	smov.u32 s1;
	s0 =	smov.u32 s2;
	p0 =	sne.s32 s1, $0x1F0  }
.Ltmp17:
0x18c: {  	s1 =	sadd.s32 $0x10, s1;
	(pc) =	sbr.rel @p0 .LBB2_36-.Ltmp17, $2  }
0x18d: {  	_ =	sdelay $0x2  }
0x18e: {  	s2 =	sadd.s32 $0x88, s2;
	s4 =	sadd.s32 s4, s17  }
0x18f: {  	[hbm4b:s4+s3] =	stream.linear.scatter [tilespmem:s0], [sflag:$0x3], $0x80, $0x38;
	[tilespmem:$0x10C00] =	vst v63  }
0x190: {  	s0 =	simm.s32 $0xD900  }
0x191: {  	s1 =	simm.s32 $0x10;
	s4 =	sadd.s32 $0x0, s18;
	s2 =	simm.s32 $0xD988  }
.LBB2_38:
0x192: {  	[hbm4b:s4+s3] =	stream.linear.scatter [tilespmem:s0], [sflag:$0x3], $0x80, $0x38;
	[tilespmem:$0x10C00] =	vst v63  }
0x193: {  	s4 =	smov.u32 s1;
	s0 =	smov.u32 s2;
	p0 =	sne.s32 s1, $0x1F0  }
.Ltmp18:
0x194: {  	s1 =	sadd.s32 $0x10, s1;
	(pc) =	sbr.rel @p0 .LBB2_38-.Ltmp18, $2  }
0x195: {  	_ =	sdelay $0x2  }
0x196: {  	s2 =	sadd.s32 $0x88, s2;
	s4 =	sadd.s32 s4, s18  }
0x197: {  	[hbm4b:s4+s3] =	stream.linear.scatter [tilespmem:s0], [sflag:$0x3], $0x80, $0x38;
	[tilespmem:$0x10C00] =	vst v63  }
0x198: {  	s0 =	simm.s32 $0xEA00  }
0x199: {  	s1 =	simm.s32 $0x10;
	s4 =	sadd.s32 $0x0, s19;
	s2 =	simm.s32 $0xEA88  }
.LBB2_40:
0x19a: {  	[hbm4b:s4+s3] =	stream.linear.scatter [tilespmem:s0], [sflag:$0x3], $0x80, $0x38;
	[tilespmem:$0x10C00] =	vst v63  }
0x19b: {  	s4 =	smov.u32 s1;
	s0 =	smov.u32 s2;
	p0 =	sne.s32 s1, $0x1F0  }
.Ltmp19:
0x19c: {  	s1 =	sadd.s32 $0x10, s1;
	(pc) =	sbr.rel @p0 .LBB2_40-.Ltmp19, $2  }
0x19d: {  	_ =	sdelay $0x2  }
0x19e: {  	s2 =	sadd.s32 $0x88, s2;
	s4 =	sadd.s32 s4, s19  }
0x19f: {  	[hbm4b:s4+s3] =	stream.linear.scatter [tilespmem:s0], [sflag:$0x3], $0x80, $0x38;
	[tilespmem:$0x10C00] =	vst v63  }
0x1a0: {  	s0 =	simm.s32 $0xFB00  }
0x1a1: {  	s1 =	simm.s32 $0x10;
	s4 =	sadd.s32 $0x0, s20;
	s2 =	simm.s32 $0xFB88  }
.LBB2_42:
0x1a2: {  	[hbm4b:s4+s3] =	stream.linear.scatter [tilespmem:s0], [sflag:$0x3], $0x80, $0x38;
	[tilespmem:$0x10C00] =	vst v63  }
0x1a3: {  	s4 =	smov.u32 s1;
	s0 =	smov.u32 s2;
	p0 =	sne.s32 s1, $0x1F0  }
.Ltmp20:
0x1a4: {  	s1 =	sadd.s32 $0x10, s1;
	(pc) =	sbr.rel @p0 .LBB2_42-.Ltmp20, $2  }
0x1a5: {  	_ =	sdelay $0x2  }
0x1a6: {  	s2 =	sadd.s32 $0x88, s2;
	s4 =	sadd.s32 s4, s20  }
0x1a7: {  	[hbm4b:s4+s3] =	stream.linear.scatter [tilespmem:s0], [sflag:$0x3], $0x80, $0x38;
	[tilespmem:$0x10C00] =	vst v63  }
0x1a8: {  	_ =	swait.ge [sflag:s30], $0x1000  }
0x1a9: {  	[sflag:s30] =	ssyncset.done $0x0  }
0x1aa: {  	[sflag:s30] =	ssyncadd.s32 $0xFFFFF000  }
0x1ab: {  	_ =	swait.ge [sflag:s30], $0x1000  }
0x1ac: {  	[sflag:s30] =	ssyncset.done $0x0  }
0x1ad: {  	[sflag:s30] =	ssyncadd.s32 $0xFFFFF000  }
0x1ae: {  	_ =	swait.ge [sflag:s30], $0x1000  }
0x1af: {  	[sflag:s30] =	ssyncset.done $0x0  }
0x1b0: {  	[sflag:s30] =	ssyncadd.s32 $0xFFFFF000  }
0x1b1: {  	_ =	swait.ge [sflag:s30], $0x1000  }
0x1b2: {  	s1 =	rddreg [dreg:$0x9]  }
0x1b3: {  	s26 =	rddreg [dreg:$0x8];
	s1 =	sadd.s32 $0x1, s1  }
0x1b4: {  	p0 =	sne.s32 s1, s26  }
.Ltmp21:
0x1b5: {  	_ = 	snop;
	(pc) =	sbr.rel @p0 .LBB2_1-.Ltmp21, $3  }
0x1b6: {  	_ =	sdelay $0x1  }
0x1b7: {  	[sflag:s30] =	ssyncset.done $0x0  }
0x1b8: {  	[sflag:s30] =	ssyncadd.s32 $0xFFFFF000  }
0x1b9: {  	_ =	sfence.sel $0x180000  }
0x1ba: {  	[bflag:$0x0] =	sbarrier.arrive $0xFFFF  }
0x1bb: {  	_ =	strace $0x90000047  }
0x1bc: {  	s0 =	stileid.u32;
	[bflag:$0x2] =	sbarrier.arrive $0xFFFF  }
0x1bd: {  	p0 =	sne.s32 s0, $0x0;
	s0 =	rddreg [dreg:$0x2]  }
0x1be: {  	s0 =	sadd.s32 @!p0 $0x100000, s0  }
0x1bf: {  	[sflag:s0] =	ssyncadd.tile.s32 @!p0 $0x1;
	_ =	shalt  }
.Lfunc_end2:
_tile_overlayer_lowered:
.L_overlay_start_2:
0x1c0: {  	(tag) =	ssettag $0x2  }
0x1c1: {  	s0 =	rddreg [dreg:$0x0];
	s2 =	stileid.u32  }
0x1c2: {  	s1 =	rddreg [dreg:$0x1];
	p0 =	sne.s32 s2, $0x0  }
0x1c3: {  	s3 =	rddreg [dreg:$0x2];
	[bflag:$0x3] =	sbarrier.arrive $0xFFFF;
	s2 =	simm.s32 @!p0 $0x1C04  }
0x1c4: {  	[timem:s3], [sflag:s2] =	dma.local @!p0 [hbm:s0], s1  }
0x1c5: {  	s0 =	simm.s32 @!p0 $0x4  }
0x1c6: {  	_ =	swait.ge @!p0 [sflag:s0], s1  }
0x1c7: {  	s1 =	ssub.s32 @!p0 $0x0, s1;
	[sflag:s0] =	ssyncset.done @!p0 $0x0  }
0x1c8: {  	[sflag:s0] =	ssyncadd.s32 @!p0 s1  }
0x1c9: {  	[bflag:$0x3] =	sbarrier.arrive $0xFFFF  }
0x1ca: {  	_ =	shalt  }

</sc_bundles>
